<compile_context>
chip_gen: v7x
topology: tpu7x:2x2x1
jax: 0.10.2.dev20260603
libtpu: 0.0.44.dev20260713+nightly
codegen_flags: <defaults>
</compile_context>

<pallas_src>
import functools

import jax
import jax.numpy as jnp
from jax import lax
from jax.experimental import pallas as pl
from jax.experimental.pallas import tpu as pltpu
from jax.experimental.pallas import tpu_sc as plsc

N = 20000
NPAD = 20480
NW = 32
L = 16
TILE = 64
NTILES = NPAD // TILE
ECAP = 2048
CCAP = 8192
KOUT = 1000
THR = 0.7

_mesh = plsc.VectorSubcoreMesh(core_axis_name="c", subcore_axis_name="s")
_params = pltpu.CompilerParams(needs_layout_passes=False)


def _wid():
    return lax.axis_index("s") * 2 + lax.axis_index("c")


def _iota():
    return lax.broadcasted_iota(jnp.int32, (L,), 0)


def _bcast(vec, lane):
    idx = jnp.full((L,), lane, jnp.int32)
    return vec.at[idx].get(mode="promise_in_bounds")


def _prefix(m_i32, iota):
    pc = m_i32
    for sh in (1, 2, 4, 8):
        src = jnp.maximum(iota - sh, 0)
        shifted = pc.at[src].get(mode="promise_in_bounds")
        pc = pc + jnp.where(iota >= sh, shifted, 0)
    return pc


def _anylane(mask, iota):
    m = jnp.where(mask, 1, 0)
    for sh in (8, 4, 2, 1):
        m = jnp.maximum(m, m.at[iota ^ sh].get(mode="promise_in_bounds"))
    return m[0]


def _gather_body(x1u, y1u, x2u, y2u, order_h, sx1, sy1, sx2, sy2, idxv, buf, sem):
    w = _wid()
    base = w * (NPAD // NW)
    srcs = (x1u, y1u, x2u, y2u)
    dsts = (sx1, sy1, sx2, sy2)
    for c in range(5):
        off = base + 128 * c
        pltpu.sync_copy(order_h.at[pl.ds(off, 128)], idxv)
        for s, d in zip(srcs, dsts):
            pltpu.async_copy(s.at[idxv], buf, sem).wait()
            pltpu.sync_copy(buf, d.at[pl.ds(off, 128)])


@jax.jit
def _gather_call(x1u, y1u, x2u, y2u, order):
    f = functools.partial(
        pl.kernel,
        out_type=[jax.ShapeDtypeStruct((NPAD,), jnp.float32)] * 4,
        mesh=_mesh,
        compiler_params=_params,
        scratch_types=[
            pltpu.VMEM((128,), jnp.int32),
            pltpu.VMEM((128,), jnp.float32),
            pltpu.SemaphoreType.DMA,
        ],
    )(_gather_body)
    return f(x1u, y1u, x2u, y2u, order)


def _probe_body(x_h, out_h, xv, tmp, ov):
    w = _wid()
    iota = _iota()
    pltpu.sync_copy(x_h, xv)
    a = xv[pl.ds(0, L)]
    mask = a > 0.5
    pc = _prefix(jnp.where(mask, 1, 0), iota)
    ps = _bcast(pc, L - 1)
    tmp[...] = ps
    s = ps[0]

    def yes(o):
        return o + _bcast(a, 3).astype(jnp.int32)[0]

    o = lax.cond(s > 0, yes, lambda o: o, jnp.int32(0))
    idx = jnp.clip(o + pc - 1, 0, L - 1)
    plsc.store_scatter(ov, [idx], pc + s, mask=mask)
    g = plsc.load_gather(ov, [iota], mask=mask)
    plsc.addupdate_scatter(ov, [idx], g, mask=mask)

    @pl.when(w == 0)
    def _():
        pltpu.sync_copy(ov, out_h)


@jax.jit
def _probe_call(x):
    f = functools.partial(
        pl.kernel,
        out_type=jax.ShapeDtypeStruct((L,), jnp.int32),
        mesh=_mesh,
        compiler_params=_params,
        scratch_types=[
            pltpu.VMEM((L,), jnp.float32),
            pltpu.VMEM((L,), jnp.int32),
            pltpu.VMEM((L,), jnp.int32),
        ],
    )(_probe_body)
    return f(x)


def _pair_body(sx1_h, sy1_h, sx2_h, sy2_h, ebuf_h, cnt_h, x1v, y1v, x2v, y2v,
               ebuf, cntv):
    w = _wid()
    pltpu.sync_copy(sx1_h, x1v)
    pltpu.sync_copy(sy1_h, y1v)
    pltpu.sync_copy(sx2_h, x2v)
    pltpu.sync_copy(sy2_h, y2v)
    iota = _iota()

    def tile_body(q, off):
        m = q // 2
        tid = jnp.where(q % 2 == 0, 64 * m + w, 64 * m + 63 - w)
        tbase = tid * TILE
        cx1 = [x1v[pl.ds(tbase + L * v, L)] for v in range(4)]
        cy1 = [y1v[pl.ds(tbase + L * v, L)] for v in range(4)]
        cx2 = [x2v[pl.ds(tbase + L * v, L)] for v in range(4)]
        cy2 = [y2v[pl.ds(tbase + L * v, L)] for v in range(4)]
        car = [jnp.abs((cx1[v] - cx2[v]) * (cy1[v] - cy2[v])) for v in range(4)]
        cpos = [tbase + L * v + iota for v in range(4)]

        def row_geom(bx1, by1, bx2, by2, rr):
            rx1 = _bcast(bx1, rr)
            ry1 = _bcast(by1, rr)
            rx2 = _bcast(bx2, rr)
            ry2 = _bcast(by2, rr)
            rar = jnp.abs((rx1 - rx2) * (ry1 - ry2))
            return rx1, ry1, rx2, ry2, rar

        def pair_parts(rg, v):
            rx1, ry1, rx2, ry2, rar = rg
            xl = jnp.maximum(rx1, cx1[v])
            yb = jnp.maximum(ry1, cy1[v])
            xr = jnp.minimum(rx2, cx2[v])
            yt = jnp.minimum(ry2, cy2[v])
            valid = (xl <= xr) & (yb <= yt)
            inter = (xl - xr) * (yb - yt)
            denom = (rar + car[v]) - inter
            return valid, inter, denom

        def block_body(rb, off):
            rbase = rb * L
            bx1 = x1v[pl.ds(rbase, L)]
            by1 = y1v[pl.ds(rbase, L)]
            bx2 = x2v[pl.ds(rbase, L)]
            by2 = y2v[pl.ds(rbase, L)]

            def group(off, r0):
                acc = jnp.zeros((L,), jnp.bool_)
                for rr in range(r0, r0 + 8):
                    rg = row_geom(bx1, by1, bx2, by2, rr)
                    rpos = rbase + rr
                    for v in range(4):
                        valid, inter, denom = pair_parts(rg, v)
                        hit = valid & (inter * 1.00002 > THR * denom)
                        hit = hit & (cpos[v] > rpos)
                        acc = acc | hit
                def rec(o):
                    for rr in range(r0, r0 + 8):
                        rg = row_geom(bx1, by1, bx2, by2, rr)
                        rpos = rbase + rr
                        for v in range(4):
                            valid, inter, denom = pair_parts(rg, v)
                            iou = jnp.where(valid, inter / denom, 0.0)
                            hit = (iou > THR) & (cpos[v] > rpos)
                            pc = _prefix(jnp.where(hit, 1, 0), iota)
                            tot = _bcast(pc, L - 1)[0]
                            idx = jnp.clip(o + pc - 1, 0, ECAP - 1)
                            val = (rpos << 15) | cpos[v]
                            plsc.store_scatter(ebuf, [idx], val,
                                               mask=hit)
                            o = jnp.minimum(o + tot, ECAP)
                    return o
                return lax.cond(_anylane(acc, iota) > 0, rec,
                                lambda o: o, off)

            off = group(off, 0)
            off = group(off, 8)
            return off

        nblocks = 4 * tid + 4
        return lax.fori_loop(0, nblocks, block_body, off)

    off = lax.fori_loop(0, NTILES // NW, tile_body, jnp.zeros((L,), jnp.int32))
    cntv[...] = jnp.where(iota == 0, off, 0)
    pltpu.sync_copy(ebuf, ebuf_h.at[pl.ds(w * ECAP, ECAP)])
    pltpu.sync_copy(cntv, cnt_h.at[pl.ds(w * L, L)])


@jax.jit
def _pair_call(sx1, sy1, sx2, sy2):
    f = functools.partial(
        pl.kernel,
        out_type=[
            jax.ShapeDtypeStruct((NW * ECAP,), jnp.int32),
            jax.ShapeDtypeStruct((NW * L,), jnp.int32),
        ],
        mesh=_mesh,
        compiler_params=_params,
        scratch_types=[
            pltpu.VMEM((NPAD,), jnp.float32),
            pltpu.VMEM((NPAD,), jnp.float32),
            pltpu.VMEM((NPAD,), jnp.float32),
            pltpu.VMEM((NPAD,), jnp.float32),
            pltpu.VMEM((ECAP,), jnp.int32),
            pltpu.VMEM((L,), jnp.int32),
        ],
    )(_pair_body)
    return f(sx1, sy1, sx2, sy2)


def _resolve_body(ebuf_h, cnt_h, order_h, kidx_h, keep_h, stag, comb, cntv,
                  keep, supp, korig, ochunk, oidx, chgv):
    w = _wid()
    iota = _iota()

    @pl.when(w == 0)
    def _():
        pltpu.sync_copy(cnt_h, cntv)

        def compact_w(wi, etot):
            pltpu.sync_copy(ebuf_h.at[pl.ds(wi * ECAP, ECAP)], stag)
            cw = cntv[pl.ds(wi * L, L)][0]

            def vbody(v, eo):
                e = stag[pl.ds(v * L, L)]
                msk = (v * L + iota) < cw
                pc = _prefix(jnp.where(msk, 1, 0), iota)
                idx = jnp.clip(eo + pc - 1, 0, CCAP - 1)
                plsc.store_scatter(comb, [idx], e, mask=msk)
                return jnp.minimum(eo + _bcast(pc, L - 1)[0], CCAP)

            return lax.fori_loop(0, (cw + L - 1) // L, vbody, etot)

        etot = lax.fori_loop(0, NW, compact_w, jnp.int32(0))
        nev = (etot + L - 1) // L

        def initk(p, _):
            keep[pl.ds(p * L, L)] = jnp.ones((L,), jnp.float32)
            return 0
        lax.fori_loop(0, NPAD // L, initk, 0)

        def fp_cond(c):
            changed, it = c
            return changed & (it < 1024)

        def fp_body(c):
            _, it = c

            def zs(p, _):
                supp[pl.ds(p * L, L)] = jnp.zeros((L,), jnp.float32)
                return 0
            lax.fori_loop(0, NPAD // L, zs, 0)

            def ev(v, _):
                e = comb[pl.ds(v * L, L)]
                msk = (v * L + iota) < etot
                ei = jnp.where(msk, e >> 15, 0)
                ej = jnp.where(msk, e & 32767, 0)
                ki = plsc.load_gather(keep, [ei], mask=msk)
                plsc.addupdate_scatter(supp, [ej], ki, mask=msk)
                return 0
            lax.fori_loop(0, nev, ev, 0)

            chgv[...] = jnp.zeros((L,), jnp.float32)

            def rb(p, _):
                sl = pl.ds(p * L, L)
                kn = jnp.where(supp[sl] > 0.0, 0.0, 1.0)
                chgv[...] = chgv[...] + jnp.abs(kn - keep[sl])
                keep[sl] = kn
                return 0
            lax.fori_loop(0, NPAD // L, rb, 0)
            return _anylane(chgv[...] > 0.0, iota) > 0, it + 1

        lax.while_loop(fp_cond, fp_body, (jnp.bool_(True), jnp.int32(0)))

        def chunk_body(c, off):
            pltpu.sync_copy(order_h.at[pl.ds(c * 2048, 2048)], ochunk)

            def vbody(v, off):
                p0 = c * 2048 + v * L
                ov = ochunk[pl.ds(v * L, L)]
                kv = keep[pl.ds(p0, L)]
                real = (p0 + iota) < N
                kept = (kv > 0.0) & real
                plsc.store_scatter(korig, [ov],
                                   jnp.where(kept, 1, 0), mask=real)
                pc = _prefix(jnp.where(kept, 1, 0), iota)
                idx = off + pc - 1
                wm = kept & (idx < KOUT)
                plsc.store_scatter(oidx, [jnp.clip(idx, 0, KOUT - 1)],
                                   ov, mask=wm)
                return off + _bcast(pc, L - 1)[0]

            return lax.fori_loop(0, 128, vbody, off)

        off = lax.fori_loop(0, NPAD // 2048, chunk_body, jnp.int32(0))

        def pad_fill(off):
            def vbody(v, off):
                kv = korig[pl.ds(v * L, L)]
                gone = kv == 0
                pc = _prefix(jnp.where(gone, 1, 0), iota)
                idx = off + pc - 1
                wm = gone & (idx < KOUT)
                plsc.store_scatter(oidx, [jnp.clip(idx, 0, KOUT - 1)],
                                   v * L + iota, mask=wm)
                return off + _bcast(pc, L - 1)[0]
            return lax.fori_loop(0, N // L, vbody, off)

        lax.cond(off < KOUT, pad_fill, lambda o: o, off)

        pltpu.sync_copy(oidx, kidx_h)
        pltpu.sync_copy(korig, keep_h)


@jax.jit
def _resolve_call(ebuf, cnt, order):
    f = functools.partial(
        pl.kernel,
        out_type=[
            jax.ShapeDtypeStruct((1024,), jnp.int32),
            jax.ShapeDtypeStruct((N,), jnp.int32),
        ],
        compiler_params=_params,
        mesh=_mesh,
        scratch_types=[
            pltpu.VMEM((ECAP,), jnp.int32),
            pltpu.VMEM((CCAP,), jnp.int32),
            pltpu.VMEM((NW * L,), jnp.int32),
            pltpu.VMEM((NPAD,), jnp.float32),
            pltpu.VMEM((NPAD,), jnp.float32),
            pltpu.VMEM((N,), jnp.int32),
            pltpu.VMEM((2048,), jnp.int32),
            pltpu.VMEM((1024,), jnp.int32),
            pltpu.VMEM((L,), jnp.float32),
        ],
    )(_resolve_body)
    return f(ebuf, cnt, order)


def kernel(boxes, scores):
    boxes = boxes.astype(jnp.float32)
    scores = scores.astype(jnp.float32)
    npad = NPAD - N
    pk = jnp.arange(npad, dtype=jnp.float32)
    padboxes = jnp.stack([
        2e6 + 1000.0 * pk,
        jnp.full((npad,), 2e6, jnp.float32),
        2e6 + 1000.0 * pk + 10.0,
        jnp.full((npad,), 2e6 + 10.0, jnp.float32),
    ], axis=1)
    boxes_p = jnp.concatenate([boxes, padboxes], axis=0)
    scores_p = jnp.concatenate(
        [scores, jnp.full((npad,), -1.0, jnp.float32)], axis=0)
    order = jnp.argsort(-scores_p).astype(jnp.int32)
    sx1, sy1, sx2, sy2 = _gather_call(
        boxes_p[:, 0], boxes_p[:, 1], boxes_p[:, 2], boxes_p[:, 3], order)
    ebuf, cnt = _pair_call(sx1, sy1, sx2, sy2)
    kidx, keepi = _resolve_call(ebuf, cnt, order)
    return kidx[:KOUT], keepi.astype(jnp.bool_)

# --- scband reference (transcript-rebuilt; emitter-appended) ---
"""Pipeline reference for scband-rpn-64931315581597 (READ-ONLY COPY).

The authoritative reference and input builder live on the scoring server;
editing this copy changes nothing except your own understanding.
"""

import jax, jax.numpy as jnp
import numpy as np

N = 20000
IOU_THRESH = 0.7
POST_NMS_TOPK = 1000


def setup_inputs(seed: int = 0) -> dict:
    key = jax.random.key(seed)
    k1, k2, k3, k4 = jax.random.split(key, 4)
    # Synthesize valid XYXY boxes: centers in [0, 1024), w/h in [8, 136)
    cx = jax.random.uniform(k1, (N,), dtype=jnp.float32) * 1024.0
    cy = jax.random.uniform(k2, (N,), dtype=jnp.float32) * 1024.0
    wh = jax.random.uniform(k3, (N, 2), dtype=jnp.float32) * 128.0 + 8.0
    boxes = jnp.stack([
        cx - wh[:, 0] / 2.0,
        cy - wh[:, 1] / 2.0,
        cx + wh[:, 0] / 2.0,
        cy + wh[:, 1] / 2.0,
    ], axis=1)
    scores = jax.random.uniform(k4, (N,), dtype=jnp.float32)
    return {"boxes": boxes, "scores": scores}


def _pairwise_iou(boxes1, boxes2):
    # boxes in XYXY with X1<X2, Y1<Y2 -> (M, N) IoU matrix
    area1 = jnp.abs((boxes1[:, 0] - boxes1[:, 2]) * (boxes1[:, 1] - boxes1[:, 3]))  # (M,)
    area2 = jnp.abs((boxes2[:, 0] - boxes2[:, 2]) * (boxes2[:, 1] - boxes2[:, 3]))  # (N,)
    x_left = jnp.maximum(boxes1[:, None, 0], boxes2[None, :, 0])
    y_bot = jnp.maximum(boxes1[:, None, 1], boxes2[None, :, 1])
    x_right = jnp.minimum(boxes1[:, None, 2], boxes2[None, :, 2])
    y_top = jnp.minimum(boxes1[:, None, 3], boxes2[None, :, 3])
    no_inter = (x_left > x_right) | (y_bot > y_top)
    inter = jnp.abs((x_left - x_right) * (y_bot - y_top))
    iou_mat = inter / (area1[:, None] + area2[None, :] - inter)
    iou_mat = jnp.where(no_inter, 0.0, iou_mat)
    return iou_mat


def reference(boxes, scores):
    """Greedy NMS matching torchvision.ops.nms semantics, then top-k keep.

    Returns (kept_indices int32[POST_NMS_TOPK], keep_mask bool[N]).
    Uses sort + iterative suppression expressed with lax.fori_loop so it is
    jit-compatible with static shapes.
    """
    n = boxes.shape[0]
    order = jnp.argsort(-scores)  # descending by score
    sboxes = boxes[order]
    iou_mat = _pairwise_iou(sboxes, sboxes)  # (n, n) in score order
    suppress_upper = (iou_mat > IOU_THRESH) & (jnp.arange(n)[:, None] < jnp.arange(n)[None, :])

    def body(i, keep):
        # if box i is kept, suppress all later boxes with IoU > thresh
        row = suppress_upper[i]
        keep = jnp.where(keep[i] & row, False, keep)
        return keep

    keep_sorted = jax.lax.fori_loop(0, n, body, jnp.ones((n,), dtype=bool))
    # map back to original indices
    keep_mask = jnp.zeros((n,), dtype=bool).at[order].set(keep_sorted)
    # survivors ranked by score; take post-NMS top-k indices (original ids)
    surv_scores = jnp.where(keep_mask, scores, -jnp.inf)
    _, kept_idx = jax.lax.top_k(surv_scores, POST_NMS_TOPK)
    return kept_idx.astype(jnp.int32), keep_mask

if __name__ == "__main__":
    import jax
    _d = setup_inputs()
    print(jax.jit(kernel)(*tuple(_d.values())))

</pallas_src>

<mosaic_0001>
#map = affine_map<(d0, d1) -> (0)>
module attributes {stable_mosaic.version = 14 : i64} {
  func.func @_gather_body(%arg0: i32, %arg1: i32, %arg2: memref<20480xf32, #tpu.memory_space<hbm>>, %arg3: memref<20480xf32, #tpu.memory_space<hbm>>, %arg4: memref<20480xf32, #tpu.memory_space<hbm>>, %arg5: memref<20480xf32, #tpu.memory_space<hbm>>, %arg6: memref<20480xi32, #tpu.memory_space<hbm>>, %arg7: memref<20480xf32, #tpu.memory_space<hbm>>, %arg8: memref<20480xf32, #tpu.memory_space<hbm>>, %arg9: memref<20480xf32, #tpu.memory_space<hbm>>, %arg10: memref<20480xf32, #tpu.memory_space<hbm>>, %arg11: memref<128xi32, #tpu.memory_space<vmem>>, %arg12: memref<128xf32, #tpu.memory_space<vmem>>, %arg13: memref<!tpu.dma_semaphore, #tpu.memory_space<semaphore_mem>>) attributes {dimension_semantics = [#tpu.dimension_semantics<core_parallel>, #tpu.dimension_semantics<subcore_parallel>], iteration_bounds = array<i64: 2, 16>, scalar_prefetch = 0 : i64, scratch_operands = 3 : i64, tpu.core_type = #tpu.core_type<sc_vector_subcore>, window_params = [{transform_indices = #map}, {transform_indices = #map}, {transform_indices = #map}, {transform_indices = #map}, {transform_indices = #map}, {transform_indices = #map}, {transform_indices = #map}, {transform_indices = #map}, {transform_indices = #map}]} {
    %mul3A = arith.constant 2 : i32
    %mul3A_0 = arith.muli %arg1, %mul3A : i32
    %add3A = arith.addi %mul3A_0, %arg0 : i32
    %mul3A_1 = arith.constant 640 : i32
    %mul3A_2 = arith.muli %add3A, %mul3A_1 : i32
    %add3A_3 = arith.constant 0 : i32
    %add3A_4 = arith.addi %mul3A_2, %add3A_3 : i32
    "tpu.region"() ({
      %run_scoped3A = tpu.sem_alloc : memref<!tpu.dma_semaphore, #tpu.memory_space<semaphore_mem>>
      %dma_start3A_91 = tpu.memref_slice %arg6[%add3A_4] : memref<20480xi32, #tpu.memory_space<hbm>> -> memref<128xi32, #tpu.memory_space<hbm>>
      %dma_start3A_92 = tpu.memref_slice %arg6[%add3A_4] : memref<20480xi32, #tpu.memory_space<hbm>> -> memref<128xi32, #tpu.memory_space<hbm>>
      tpu.enqueue_dma source(%dma_start3A_92 : memref<128xi32, #tpu.memory_space<hbm>>) target(%arg11 : memref<128xi32, #tpu.memory_space<vmem>>) target_semaphore(%run_scoped3A : memref<!tpu.dma_semaphore, #tpu.memory_space<semaphore_mem>>)
      %dma_wait3A_93 = tpu.memref_slice %arg6[%add3A_4] : memref<20480xi32, #tpu.memory_space<hbm>> -> memref<128xi32, #tpu.memory_space<hbm>>
      %dma_wait3A_94 = tpu.memref_slice %arg6[%add3A_4] : memref<20480xi32, #tpu.memory_space<hbm>> -> memref<128xi32, #tpu.memory_space<hbm>>
      tpu.wait_dma2 semaphore(%run_scoped3A : memref<!tpu.dma_semaphore, #tpu.memory_space<semaphore_mem>>) src(%dma_wait3A_94 : memref<128xi32, #tpu.memory_space<hbm>>) dst(%arg11 : memref<128xi32, #tpu.memory_space<vmem>>)
      tpu.yield
    }) : () -> ()
    %dma_start3A = arith.constant 0 : i32
    %dma_start3A_5 = tpu.memref_slice %arg2[%dma_start3A] : memref<20480xf32, #tpu.memory_space<hbm>> -> memref<20480xf32, #tpu.memory_space<hbm>>
    tpu.enqueue_indirect_dma source(%dma_start3A_5 : memref<20480xf32, #tpu.memory_space<hbm>>) target(%arg12 : memref<128xf32, #tpu.memory_space<vmem>>) offsets(%arg11 : memref<128xi32, #tpu.memory_space<vmem>>) semaphore(%arg13 : memref<!tpu.dma_semaphore, #tpu.memory_space<semaphore_mem>>)
    %dma_wait3A = arith.constant 0 : i32
    %dma_wait3A_6 = tpu.memref_slice %arg2[%dma_wait3A] : memref<20480xf32, #tpu.memory_space<hbm>> -> memref<20480xf32, #tpu.memory_space<hbm>>
    tpu.wait_indirect_dma semaphore(%arg13 : memref<!tpu.dma_semaphore, #tpu.memory_space<semaphore_mem>>) src(%dma_wait3A_6 : memref<20480xf32, #tpu.memory_space<hbm>>) dst(%arg12 : memref<128xf32, #tpu.memory_space<vmem>>)
    "tpu.region"() ({
      %run_scoped3A = tpu.sem_alloc : memref<!tpu.dma_semaphore, #tpu.memory_space<semaphore_mem>>
      %dma_start3A_91 = tpu.memref_slice %arg7[%add3A_4] : memref<20480xf32, #tpu.memory_space<hbm>> -> memref<128xf32, #tpu.memory_space<hbm>>
      %dma_start3A_92 = tpu.memref_slice %arg7[%add3A_4] : memref<20480xf32, #tpu.memory_space<hbm>> -> memref<128xf32, #tpu.memory_space<hbm>>
      tpu.enqueue_dma source(%arg12 : memref<128xf32, #tpu.memory_space<vmem>>) target(%dma_start3A_92 : memref<128xf32, #tpu.memory_space<hbm>>) target_semaphore(%run_scoped3A : memref<!tpu.dma_semaphore, #tpu.memory_space<semaphore_mem>>)
      %dma_wait3A_93 = tpu.memref_slice %arg7[%add3A_4] : memref<20480xf32, #tpu.memory_space<hbm>> -> memref<128xf32, #tpu.memory_space<hbm>>
      %dma_wait3A_94 = tpu.memref_slice %arg7[%add3A_4] : memref<20480xf32, #tpu.memory_space<hbm>> -> memref<128xf32, #tpu.memory_space<hbm>>
      tpu.wait_dma2 semaphore(%run_scoped3A : memref<!tpu.dma_semaphore, #tpu.memory_space<semaphore_mem>>) src(%arg12 : memref<128xf32, #tpu.memory_space<vmem>>) dst(%dma_wait3A_94 : memref<128xf32, #tpu.memory_space<hbm>>)
      tpu.yield
    }) : () -> ()
    %dma_start3A_7 = arith.constant 0 : i32
    %dma_start3A_8 = tpu.memref_slice %arg3[%dma_start3A_7] : memref<20480xf32, #tpu.memory_space<hbm>> -> memref<20480xf32, #tpu.memory_space<hbm>>
    tpu.enqueue_indirect_dma source(%dma_start3A_8 : memref<20480xf32, #tpu.memory_space<hbm>>) target(%arg12 : memref<128xf32, #tpu.memory_space<vmem>>) offsets(%arg11 : memref<128xi32, #tpu.memory_space<vmem>>) semaphore(%arg13 : memref<!tpu.dma_semaphore, #tpu.memory_space<semaphore_mem>>)
    %dma_wait3A_9 = arith.constant 0 : i32
    %dma_wait3A_10 = tpu.memref_slice %arg3[%dma_wait3A_9] : memref<20480xf32, #tpu.memory_space<hbm>> -> memref<20480xf32, #tpu.memory_space<hbm>>
    tpu.wait_indirect_dma semaphore(%arg13 : memref<!tpu.dma_semaphore, #tpu.memory_space<semaphore_mem>>) src(%dma_wait3A_10 : memref<20480xf32, #tpu.memory_space<hbm>>) dst(%arg12 : memref<128xf32, #tpu.memory_space<vmem>>)
    "tpu.region"() ({
      %run_scoped3A = tpu.sem_alloc : memref<!tpu.dma_semaphore, #tpu.memory_space<semaphore_mem>>
      %dma_start3A_91 = tpu.memref_slice %arg8[%add3A_4] : memref<20480xf32, #tpu.memory_space<hbm>> -> memref<128xf32, #tpu.memory_space<hbm>>
      %dma_start3A_92 = tpu.memref_slice %arg8[%add3A_4] : memref<20480xf32, #tpu.memory_space<hbm>> -> memref<128xf32, #tpu.memory_space<hbm>>
      tpu.enqueue_dma source(%arg12 : memref<128xf32, #tpu.memory_space<vmem>>) target(%dma_start3A_92 : memref<128xf32, #tpu.memory_space<hbm>>) target_semaphore(%run_scoped3A : memref<!tpu.dma_semaphore, #tpu.memory_space<semaphore_mem>>)
      %dma_wait3A_93 = tpu.memref_slice %arg8[%add3A_4] : memref<20480xf32, #tpu.memory_space<hbm>> -> memref<128xf32, #tpu.memory_space<hbm>>
      %dma_wait3A_94 = tpu.memref_slice %arg8[%add3A_4] : memref<20480xf32, #tpu.memory_space<hbm>> -> memref<128xf32, #tpu.memory_space<hbm>>
      tpu.wait_dma2 semaphore(%run_scoped3A : memref<!tpu.dma_semaphore, #tpu.memory_space<semaphore_mem>>) src(%arg12 : memref<128xf32, #tpu.memory_space<vmem>>) dst(%dma_wait3A_94 : memref<128xf32, #tpu.memory_space<hbm>>)
      tpu.yield
    }) : () -> ()
    %dma_start3A_11 = arith.constant 0 : i32
    %dma_start3A_12 = tpu.memref_slice %arg4[%dma_start3A_11] : memref<20480xf32, #tpu.memory_space<hbm>> -> memref<20480xf32, #tpu.memory_space<hbm>>
    tpu.enqueue_indirect_dma source(%dma_start3A_12 : memref<20480xf32, #tpu.memory_space<hbm>>) target(%arg12 : memref<128xf32, #tpu.memory_space<vmem>>) offsets(%arg11 : memref<128xi32, #tpu.memory_space<vmem>>) semaphore(%arg13 : memref<!tpu.dma_semaphore, #tpu.memory_space<semaphore_mem>>)
    %dma_wait3A_13 = arith.constant 0 : i32
    %dma_wait3A_14 = tpu.memref_slice %arg4[%dma_wait3A_13] : memref<20480xf32, #tpu.memory_space<hbm>> -> memref<20480xf32, #tpu.memory_space<hbm>>
    tpu.wait_indirect_dma semaphore(%arg13 : memref<!tpu.dma_semaphore, #tpu.memory_space<semaphore_mem>>) src(%dma_wait3A_14 : memref<20480xf32, #tpu.memory_space<hbm>>) dst(%arg12 : memref<128xf32, #tpu.memory_space<vmem>>)
    "tpu.region"() ({
      %run_scoped3A = tpu.sem_alloc : memref<!tpu.dma_semaphore, #tpu.memory_space<semaphore_mem>>
      %dma_start3A_91 = tpu.memref_slice %arg9[%add3A_4] : memref<20480xf32, #tpu.memory_space<hbm>> -> memref<128xf32, #tpu.memory_space<hbm>>
      %dma_start3A_92 = tpu.memref_slice %arg9[%add3A_4] : memref<20480xf32, #tpu.memory_space<hbm>> -> memref<128xf32, #tpu.memory_space<hbm>>
      tpu.enqueue_dma source(%arg12 : memref<128xf32, #tpu.memory_space<vmem>>) target(%dma_start3A_92 : memref<128xf32, #tpu.memory_space<hbm>>) target_semaphore(%run_scoped3A : memref<!tpu.dma_semaphore, #tpu.memory_space<semaphore_mem>>)
      %dma_wait3A_93 = tpu.memref_slice %arg9[%add3A_4] : memref<20480xf32, #tpu.memory_space<hbm>> -> memref<128xf32, #tpu.memory_space<hbm>>
      %dma_wait3A_94 = tpu.memref_slice %arg9[%add3A_4] : memref<20480xf32, #tpu.memory_space<hbm>> -> memref<128xf32, #tpu.memory_space<hbm>>
      tpu.wait_dma2 semaphore(%run_scoped3A : memref<!tpu.dma_semaphore, #tpu.memory_space<semaphore_mem>>) src(%arg12 : memref<128xf32, #tpu.memory_space<vmem>>) dst(%dma_wait3A_94 : memref<128xf32, #tpu.memory_space<hbm>>)
      tpu.yield
    }) : () -> ()
    %dma_start3A_15 = arith.constant 0 : i32
    %dma_start3A_16 = tpu.memref_slice %arg5[%dma_start3A_15] : memref<20480xf32, #tpu.memory_space<hbm>> -> memref<20480xf32, #tpu.memory_space<hbm>>
    tpu.enqueue_indirect_dma source(%dma_start3A_16 : memref<20480xf32, #tpu.memory_space<hbm>>) target(%arg12 : memref<128xf32, #tpu.memory_space<vmem>>) offsets(%arg11 : memref<128xi32, #tpu.memory_space<vmem>>) semaphore(%arg13 : memref<!tpu.dma_semaphore, #tpu.memory_space<semaphore_mem>>)
    %dma_wait3A_17 = arith.constant 0 : i32
    %dma_wait3A_18 = tpu.memref_slice %arg5[%dma_wait3A_17] : memref<20480xf32, #tpu.memory_space<hbm>> -> memref<20480xf32, #tpu.memory_space<hbm>>
    tpu.wait_indirect_dma semaphore(%arg13 : memref<!tpu.dma_semaphore, #tpu.memory_space<semaphore_mem>>) src(%dma_wait3A_18 : memref<20480xf32, #tpu.memory_space<hbm>>) dst(%arg12 : memref<128xf32, #tpu.memory_space<vmem>>)
    "tpu.region"() ({
      %run_scoped3A = tpu.sem_alloc : memref<!tpu.dma_semaphore, #tpu.memory_space<semaphore_mem>>
      %dma_start3A_91 = tpu.memref_slice %arg10[%add3A_4] : memref<20480xf32, #tpu.memory_space<hbm>> -> memref<128xf32, #tpu.memory_space<hbm>>
      %dma_start3A_92 = tpu.memref_slice %arg10[%add3A_4] : memref<20480xf32, #tpu.memory_space<hbm>> -> memref<128xf32, #tpu.memory_space<hbm>>
      tpu.enqueue_dma source(%arg12 : memref<128xf32, #tpu.memory_space<vmem>>) target(%dma_start3A_92 : memref<128xf32, #tpu.memory_space<hbm>>) target_semaphore(%run_scoped3A : memref<!tpu.dma_semaphore, #tpu.memory_space<semaphore_mem>>)
      %dma_wait3A_93 = tpu.memref_slice %arg10[%add3A_4] : memref<20480xf32, #tpu.memory_space<hbm>> -> memref<128xf32, #tpu.memory_space<hbm>>
      %dma_wait3A_94 = tpu.memref_slice %arg10[%add3A_4] : memref<20480xf32, #tpu.memory_space<hbm>> -> memref<128xf32, #tpu.memory_space<hbm>>
      tpu.wait_dma2 semaphore(%run_scoped3A : memref<!tpu.dma_semaphore, #tpu.memory_space<semaphore_mem>>) src(%arg12 : memref<128xf32, #tpu.memory_space<vmem>>) dst(%dma_wait3A_94 : memref<128xf32, #tpu.memory_space<hbm>>)
      tpu.yield
    }) : () -> ()
    %add3A_19 = arith.constant 128 : i32
    %add3A_20 = arith.addi %mul3A_2, %add3A_19 : i32
    "tpu.region"() ({
      %run_scoped3A = tpu.sem_alloc : memref<!tpu.dma_semaphore, #tpu.memory_space<semaphore_mem>>
      %dma_start3A_91 = tpu.memref_slice %arg6[%add3A_20] : memref<20480xi32, #tpu.memory_space<hbm>> -> memref<128xi32, #tpu.memory_space<hbm>>
      %dma_start3A_92 = tpu.memref_slice %arg6[%add3A_20] : memref<20480xi32, #tpu.memory_space<hbm>> -> memref<128xi32, #tpu.memory_space<hbm>>
      tpu.enqueue_dma source(%dma_start3A_92 : memref<128xi32, #tpu.memory_space<hbm>>) target(%arg11 : memref<128xi32, #tpu.memory_space<vmem>>) target_semaphore(%run_scoped3A : memref<!tpu.dma_semaphore, #tpu.memory_space<semaphore_mem>>)
      %dma_wait3A_93 = tpu.memref_slice %arg6[%add3A_20] : memref<20480xi32, #tpu.memory_space<hbm>> -> memref<128xi32, #tpu.memory_space<hbm>>
      %dma_wait3A_94 = tpu.memref_slice %arg6[%add3A_20] : memref<20480xi32, #tpu.memory_space<hbm>> -> memref<128xi32, #tpu.memory_space<hbm>>
      tpu.wait_dma2 semaphore(%run_scoped3A : memref<!tpu.dma_semaphore, #tpu.memory_space<semaphore_mem>>) src(%dma_wait3A_94 : memref<128xi32, #tpu.memory_space<hbm>>) dst(%arg11 : memref<128xi32, #tpu.memory_space<vmem>>)
      tpu.yield
    }) : () -> ()
    %dma_start3A_21 = arith.constant 0 : i32
    %dma_start3A_22 = tpu.memref_slice %arg2[%dma_start3A_21] : memref<20480xf32, #tpu.memory_space<hbm>> -> memref<20480xf32, #tpu.memory_space<hbm>>
    tpu.enqueue_indirect_dma source(%dma_start3A_22 : memref<20480xf32, #tpu.memory_space<hbm>>) target(%arg12 : memref<128xf32, #tpu.memory_space<vmem>>) offsets(%arg11 : memref<128xi32, #tpu.memory_space<vmem>>) semaphore(%arg13 : memref<!tpu.dma_semaphore, #tpu.memory_space<semaphore_mem>>)
    %dma_wait3A_23 = arith.constant 0 : i32
    %dma_wait3A_24 = tpu.memref_slice %arg2[%dma_wait3A_23] : memref<20480xf32, #tpu.memory_space<hbm>> -> memref<20480xf32, #tpu.memory_space<hbm>>
    tpu.wait_indirect_dma semaphore(%arg13 : memref<!tpu.dma_semaphore, #tpu.memory_space<semaphore_mem>>) src(%dma_wait3A_24 : memref<20480xf32, #tpu.memory_space<hbm>>) dst(%arg12 : memref<128xf32, #tpu.memory_space<vmem>>)
    "tpu.region"() ({
      %run_scoped3A = tpu.sem_alloc : memref<!tpu.dma_semaphore, #tpu.memory_space<semaphore_mem>>
      %dma_start3A_91 = tpu.memref_slice %arg7[%add3A_20] : memref<20480xf32, #tpu.memory_space<hbm>> -> memref<128xf32, #tpu.memory_space<hbm>>
      %dma_start3A_92 = tpu.memref_slice %arg7[%add3A_20] : memref<20480xf32, #tpu.memory_space<hbm>> -> memref<128xf32, #tpu.memory_space<hbm>>
      tpu.enqueue_dma source(%arg12 : memref<128xf32, #tpu.memory_space<vmem>>) target(%dma_start3A_92 : memref<128xf32, #tpu.memory_space<hbm>>) target_semaphore(%run_scoped3A : memref<!tpu.dma_semaphore, #tpu.memory_space<semaphore_mem>>)
      %dma_wait3A_93 = tpu.memref_slice %arg7[%add3A_20] : memref<20480xf32, #tpu.memory_space<hbm>> -> memref<128xf32, #tpu.memory_space<hbm>>
      %dma_wait3A_94 = tpu.memref_slice %arg7[%add3A_20] : memref<20480xf32, #tpu.memory_space<hbm>> -> memref<128xf32, #tpu.memory_space<hbm>>
      tpu.wait_dma2 semaphore(%run_scoped3A : memref<!tpu.dma_semaphore, #tpu.memory_space<semaphore_mem>>) src(%arg12 : memref<128xf32, #tpu.memory_space<vmem>>) dst(%dma_wait3A_94 : memref<128xf32, #tpu.memory_space<hbm>>)
      tpu.yield
    }) : () -> ()
    %dma_start3A_25 = arith.constant 0 : i32
    %dma_start3A_26 = tpu.memref_slice %arg3[%dma_start3A_25] : memref<20480xf32, #tpu.memory_space<hbm>> -> memref<20480xf32, #tpu.memory_space<hbm>>
    tpu.enqueue_indirect_dma source(%dma_start3A_26 : memref<20480xf32, #tpu.memory_space<hbm>>) target(%arg12 : memref<128xf32, #tpu.memory_space<vmem>>) offsets(%arg11 : memref<128xi32, #tpu.memory_space<vmem>>) semaphore(%arg13 : memref<!tpu.dma_semaphore, #tpu.memory_space<semaphore_mem>>)
    %dma_wait3A_27 = arith.constant 0 : i32
    %dma_wait3A_28 = tpu.memref_slice %arg3[%dma_wait3A_27] : memref<20480xf32, #tpu.memory_space<hbm>> -> memref<20480xf32, #tpu.memory_space<hbm>>
    tpu.wait_indirect_dma semaphore(%arg13 : memref<!tpu.dma_semaphore, #tpu.memory_space<semaphore_mem>>) src(%dma_wait3A_28 : memref<20480xf32, #tpu.memory_space<hbm>>) dst(%arg12 : memref<128xf32, #tpu.memory_space<vmem>>)
    "tpu.region"() ({
      %run_scoped3A = tpu.sem_alloc : memref<!tpu.dma_semaphore, #tpu.memory_space<semaphore_mem>>
      %dma_start3A_91 = tpu.memref_slice %arg8[%add3A_20] : memref<20480xf32, #tpu.memory_space<hbm>> -> memref<128xf32, #tpu.memory_space<hbm>>
      %dma_start3A_92 = tpu.memref_slice %arg8[%add3A_20] : memref<20480xf32, #tpu.memory_space<hbm>> -> memref<128xf32, #tpu.memory_space<hbm>>
      tpu.enqueue_dma source(%arg12 : memref<128xf32, #tpu.memory_space<vmem>>) target(%dma_start3A_92 : memref<128xf32, #tpu.memory_space<hbm>>) target_semaphore(%run_scoped3A : memref<!tpu.dma_semaphore, #tpu.memory_space<semaphore_mem>>)
      %dma_wait3A_93 = tpu.memref_slice %arg8[%add3A_20] : memref<20480xf32, #tpu.memory_space<hbm>> -> memref<128xf32, #tpu.memory_space<hbm>>
      %dma_wait3A_94 = tpu.memref_slice %arg8[%add3A_20] : memref<20480xf32, #tpu.memory_space<hbm>> -> memref<128xf32, #tpu.memory_space<hbm>>
      tpu.wait_dma2 semaphore(%run_scoped3A : memref<!tpu.dma_semaphore, #tpu.memory_space<semaphore_mem>>) src(%arg12 : memref<128xf32, #tpu.memory_space<vmem>>) dst(%dma_wait3A_94 : memref<128xf32, #tpu.memory_space<hbm>>)
      tpu.yield
    }) : () -> ()
    %dma_start3A_29 = arith.constant 0 : i32
    %dma_start3A_30 = tpu.memref_slice %arg4[%dma_start3A_29] : memref<20480xf32, #tpu.memory_space<hbm>> -> memref<20480xf32, #tpu.memory_space<hbm>>
    tpu.enqueue_indirect_dma source(%dma_start3A_30 : memref<20480xf32, #tpu.memory_space<hbm>>) target(%arg12 : memref<128xf32, #tpu.memory_space<vmem>>) offsets(%arg11 : memref<128xi32, #tpu.memory_space<vmem>>) semaphore(%arg13 : memref<!tpu.dma_semaphore, #tpu.memory_space<semaphore_mem>>)
    %dma_wait3A_31 = arith.constant 0 : i32
    %dma_wait3A_32 = tpu.memref_slice %arg4[%dma_wait3A_31] : memref<20480xf32, #tpu.memory_space<hbm>> -> memref<20480xf32, #tpu.memory_space<hbm>>
    tpu.wait_indirect_dma semaphore(%arg13 : memref<!tpu.dma_semaphore, #tpu.memory_space<semaphore_mem>>) src(%dma_wait3A_32 : memref<20480xf32, #tpu.memory_space<hbm>>) dst(%arg12 : memref<128xf32, #tpu.memory_space<vmem>>)
    "tpu.region"() ({
      %run_scoped3A = tpu.sem_alloc : memref<!tpu.dma_semaphore, #tpu.memory_space<semaphore_mem>>
      %dma_start3A_91 = tpu.memref_slice %arg9[%add3A_20] : memref<20480xf32, #tpu.memory_space<hbm>> -> memref<128xf32, #tpu.memory_space<hbm>>
      %dma_start3A_92 = tpu.memref_slice %arg9[%add3A_20] : memref<20480xf32, #tpu.memory_space<hbm>> -> memref<128xf32, #tpu.memory_space<hbm>>
      tpu.enqueue_dma source(%arg12 : memref<128xf32, #tpu.memory_space<vmem>>) target(%dma_start3A_92 : memref<128xf32, #tpu.memory_space<hbm>>) target_semaphore(%run_scoped3A : memref<!tpu.dma_semaphore, #tpu.memory_space<semaphore_mem>>)
      %dma_wait3A_93 = tpu.memref_slice %arg9[%add3A_20] : memref<20480xf32, #tpu.memory_space<hbm>> -> memref<128xf32, #tpu.memory_space<hbm>>
      %dma_wait3A_94 = tpu.memref_slice %arg9[%add3A_20] : memref<20480xf32, #tpu.memory_space<hbm>> -> memref<128xf32, #tpu.memory_space<hbm>>
      tpu.wait_dma2 semaphore(%run_scoped3A : memref<!tpu.dma_semaphore, #tpu.memory_space<semaphore_mem>>) src(%arg12 : memref<128xf32, #tpu.memory_space<vmem>>) dst(%dma_wait3A_94 : memref<128xf32, #tpu.memory_space<hbm>>)
      tpu.yield
    }) : () -> ()
    %dma_start3A_33 = arith.constant 0 : i32
    %dma_start3A_34 = tpu.memref_slice %arg5[%dma_start3A_33] : memref<20480xf32, #tpu.memory_space<hbm>> -> memref<20480xf32, #tpu.memory_space<hbm>>
    tpu.enqueue_indirect_dma source(%dma_start3A_34 : memref<20480xf32, #tpu.memory_space<hbm>>) target(%arg12 : memref<128xf32, #tpu.memory_space<vmem>>) offsets(%arg11 : memref<128xi32, #tpu.memory_space<vmem>>) semaphore(%arg13 : memref<!tpu.dma_semaphore, #tpu.memory_space<semaphore_mem>>)
    %dma_wait3A_35 = arith.constant 0 : i32
    %dma_wait3A_36 = tpu.memref_slice %arg5[%dma_wait3A_35] : memref<20480xf32, #tpu.memory_space<hbm>> -> memref<20480xf32, #tpu.memory_space<hbm>>
    tpu.wait_indirect_dma semaphore(%arg13 : memref<!tpu.dma_semaphore, #tpu.memory_space<semaphore_mem>>) src(%dma_wait3A_36 : memref<20480xf32, #tpu.memory_space<hbm>>) dst(%arg12 : memref<128xf32, #tpu.memory_space<vmem>>)
    "tpu.region"() ({
      %run_scoped3A = tpu.sem_alloc : memref<!tpu.dma_semaphore, #tpu.memory_space<semaphore_mem>>
      %dma_start3A_91 = tpu.memref_slice %arg10[%add3A_20] : memref<20480xf32, #tpu.memory_space<hbm>> -> memref<128xf32, #tpu.memory_space<hbm>>
      %dma_start3A_92 = tpu.memref_slice %arg10[%add3A_20] : memref<20480xf32, #tpu.memory_space<hbm>> -> memref<128xf32, #tpu.memory_space<hbm>>
      tpu.enqueue_dma source(%arg12 : memref<128xf32, #tpu.memory_space<vmem>>) target(%dma_start3A_92 : memref<128xf32, #tpu.memory_space<hbm>>) target_semaphore(%run_scoped3A : memref<!tpu.dma_semaphore, #tpu.memory_space<semaphore_mem>>)
      %dma_wait3A_93 = tpu.memref_slice %arg10[%add3A_20] : memref<20480xf32, #tpu.memory_space<hbm>> -> memref<128xf32, #tpu.memory_space<hbm>>
      %dma_wait3A_94 = tpu.memref_slice %arg10[%add3A_20] : memref<20480xf32, #tpu.memory_space<hbm>> -> memref<128xf32, #tpu.memory_space<hbm>>
      tpu.wait_dma2 semaphore(%run_scoped3A : memref<!tpu.dma_semaphore, #tpu.memory_space<semaphore_mem>>) src(%arg12 : memref<128xf32, #tpu.memory_space<vmem>>) dst(%dma_wait3A_94 : memref<128xf32, #tpu.memory_space<hbm>>)
      tpu.yield
    }) : () -> ()
    %add3A_37 = arith.constant 256 : i32
    %add3A_38 = arith.addi %mul3A_2, %add3A_37 : i32
    "tpu.region"() ({
      %run_scoped3A = tpu.sem_alloc : memref<!tpu.dma_semaphore, #tpu.memory_space<semaphore_mem>>
      %dma_start3A_91 = tpu.memref_slice %arg6[%add3A_38] : memref<20480xi32, #tpu.memory_space<hbm>> -> memref<128xi32, #tpu.memory_space<hbm>>
      %dma_start3A_92 = tpu.memref_slice %arg6[%add3A_38] : memref<20480xi32, #tpu.memory_space<hbm>> -> memref<128xi32, #tpu.memory_space<hbm>>
      tpu.enqueue_dma source(%dma_start3A_92 : memref<128xi32, #tpu.memory_space<hbm>>) target(%arg11 : memref<128xi32, #tpu.memory_space<vmem>>) target_semaphore(%run_scoped3A : memref<!tpu.dma_semaphore, #tpu.memory_space<semaphore_mem>>)
      %dma_wait3A_93 = tpu.memref_slice %arg6[%add3A_38] : memref<20480xi32, #tpu.memory_space<hbm>> -> memref<128xi32, #tpu.memory_space<hbm>>
      %dma_wait3A_94 = tpu.memref_slice %arg6[%add3A_38] : memref<20480xi32, #tpu.memory_space<hbm>> -> memref<128xi32, #tpu.memory_space<hbm>>
      tpu.wait_dma2 semaphore(%run_scoped3A : memref<!tpu.dma_semaphore, #tpu.memory_space<semaphore_mem>>) src(%dma_wait3A_94 : memref<128xi32, #tpu.memory_space<hbm>>) dst(%arg11 : memref<128xi32, #tpu.memory_space<vmem>>)
      tpu.yield
    }) : () -> ()
    %dma_start3A_39 = arith.constant 0 : i32
    %dma_start3A_40 = tpu.memref_slice %arg2[%dma_start3A_39] : memref<20480xf32, #tpu.memory_space<hbm>> -> memref<20480xf32, #tpu.memory_space<hbm>>
    tpu.enqueue_indirect_dma source(%dma_start3A_40 : memref<20480xf32, #tpu.memory_space<hbm>>) target(%arg12 : memref<128xf32, #tpu.memory_space<vmem>>) offsets(%arg11 : memref<128xi32, #tpu.memory_space<vmem>>) semaphore(%arg13 : memref<!tpu.dma_semaphore, #tpu.memory_space<semaphore_mem>>)
    %dma_wait3A_41 = arith.constant 0 : i32
    %dma_wait3A_42 = tpu.memref_slice %arg2[%dma_wait3A_41] : memref<20480xf32, #tpu.memory_space<hbm>> -> memref<20480xf32, #tpu.memory_space<hbm>>
    tpu.wait_indirect_dma semaphore(%arg13 : memref<!tpu.dma_semaphore, #tpu.memory_space<semaphore_mem>>) src(%dma_wait3A_42 : memref<20480xf32, #tpu.memory_space<hbm>>) dst(%arg12 : memref<128xf32, #tpu.memory_space<vmem>>)
    "tpu.region"() ({
      %run_scoped3A = tpu.sem_alloc : memref<!tpu.dma_semaphore, #tpu.memory_space<semaphore_mem>>
      %dma_start3A_91 = tpu.memref_slice %arg7[%add3A_38] : memref<20480xf32, #tpu.memory_space<hbm>> -> memref<128xf32, #tpu.memory_space<hbm>>
      %dma_start3A_92 = tpu.memref_slice %arg7[%add3A_38] : memref<20480xf32, #tpu.memory_space<hbm>> -> memref<128xf32, #tpu.memory_space<hbm>>
      tpu.enqueue_dma source(%arg12 : memref<128xf32, #tpu.memory_space<vmem>>) target(%dma_start3A_92 : memref<128xf32, #tpu.memory_space<hbm>>) target_semaphore(%run_scoped3A : memref<!tpu.dma_semaphore, #tpu.memory_space<semaphore_mem>>)
      %dma_wait3A_93 = tpu.memref_slice %arg7[%add3A_38] : memref<20480xf32, #tpu.memory_space<hbm>> -> memref<128xf32, #tpu.memory_space<hbm>>
      %dma_wait3A_94 = tpu.memref_slice %arg7[%add3A_38] : memref<20480xf32, #tpu.memory_space<hbm>> -> memref<128xf32, #tpu.memory_space<hbm>>
      tpu.wait_dma2 semaphore(%run_scoped3A : memref<!tpu.dma_semaphore, #tpu.memory_space<semaphore_mem>>) src(%arg12 : memref<128xf32, #tpu.memory_space<vmem>>) dst(%dma_wait3A_94 : memref<128xf32, #tpu.memory_space<hbm>>)
      tpu.yield
    }) : () -> ()
    %dma_start3A_43 = arith.constant 0 : i32
    %dma_start3A_44 = tpu.memref_slice %arg3[%dma_start3A_43] : memref<20480xf32, #tpu.memory_space<hbm>> -> memref<20480xf32, #tpu.memory_space<hbm>>
    tpu.enqueue_indirect_dma source(%dma_start3A_44 : memref<20480xf32, #tpu.memory_space<hbm>>) target(%arg12 : memref<128xf32, #tpu.memory_space<vmem>>) offsets(%arg11 : memref<128xi32, #tpu.memory_space<vmem>>) semaphore(%arg13 : memref<!tpu.dma_semaphore, #tpu.memory_space<semaphore_mem>>)
    %dma_wait3A_45 = arith.constant 0 : i32
    %dma_wait3A_46 = tpu.memref_slice %arg3[%dma_wait3A_45] : memref<20480xf32, #tpu.memory_space<hbm>> -> memref<20480xf32, #tpu.memory_space<hbm>>
    tpu.wait_indirect_dma semaphore(%arg13 : memref<!tpu.dma_semaphore, #tpu.memory_space<semaphore_mem>>) src(%dma_wait3A_46 : memref<20480xf32, #tpu.memory_space<hbm>>) dst(%arg12 : memref<128xf32, #tpu.memory_space<vmem>>)
    "tpu.region"() ({
      %run_scoped3A = tpu.sem_alloc : memref<!tpu.dma_semaphore, #tpu.memory_space<semaphore_mem>>
      %dma_start3A_91 = tpu.memref_slice %arg8[%add3A_38] : memref<20480xf32, #tpu.memory_space<hbm>> -> memref<128xf32, #tpu.memory_space<hbm>>
      %dma_start3A_92 = tpu.memref_slice %arg8[%add3A_38] : memref<20480xf32, #tpu.memory_space<hbm>> -> memref<128xf32, #tpu.memory_space<hbm>>
      tpu.enqueue_dma source(%arg12 : memref<128xf32, #tpu.memory_space<vmem>>) target(%dma_start3A_92 : memref<128xf32, #tpu.memory_space<hbm>>) target_semaphore(%run_scoped3A : memref<!tpu.dma_semaphore, #tpu.memory_space<semaphore_mem>>)
      %dma_wait3A_93 = tpu.memref_slice %arg8[%add3A_38] : memref<20480xf32, #tpu.memory_space<hbm>> -> memref<128xf32, #tpu.memory_space<hbm>>
      %dma_wait3A_94 = tpu.memref_slice %arg8[%add3A_38] : memref<20480xf32, #tpu.memory_space<hbm>> -> memref<128xf32, #tpu.memory_space<hbm>>
      tpu.wait_dma2 semaphore(%run_scoped3A : memref<!tpu.dma_semaphore, #tpu.memory_space<semaphore_mem>>) src(%arg12 : memref<128xf32, #tpu.memory_space<vmem>>) dst(%dma_wait3A_94 : memref<128xf32, #tpu.memory_space<hbm>>)
      tpu.yield
    }) : () -> ()
    %dma_start3A_47 = arith.constant 0 : i32
    %dma_start3A_48 = tpu.memref_slice %arg4[%dma_start3A_47] : memref<20480xf32, #tpu.memory_space<hbm>> -> memref<20480xf32, #tpu.memory_space<hbm>>
    tpu.enqueue_indirect_dma source(%dma_start3A_48 : memref<20480xf32, #tpu.memory_space<hbm>>) target(%arg12 : memref<128xf32, #tpu.memory_space<vmem>>) offsets(%arg11 : memref<128xi32, #tpu.memory_space<vmem>>) semaphore(%arg13 : memref<!tpu.dma_semaphore, #tpu.memory_space<semaphore_mem>>)
    %dma_wait3A_49 = arith.constant 0 : i32
    %dma_wait3A_50 = tpu.memref_slice %arg4[%dma_wait3A_49] : memref<20480xf32, #tpu.memory_space<hbm>> -> memref<20480xf32, #tpu.memory_space<hbm>>
    tpu.wait_indirect_dma semaphore(%arg13 : memref<!tpu.dma_semaphore, #tpu.memory_space<semaphore_mem>>) src(%dma_wait3A_50 : memref<20480xf32, #tpu.memory_space<hbm>>) dst(%arg12 : memref<128xf32, #tpu.memory_space<vmem>>)
    "tpu.region"() ({
      %run_scoped3A = tpu.sem_alloc : memref<!tpu.dma_semaphore, #tpu.memory_space<semaphore_mem>>
      %dma_start3A_91 = tpu.memref_slice %arg9[%add3A_38] : memref<20480xf32, #tpu.memory_space<hbm>> -> memref<128xf32, #tpu.memory_space<hbm>>
      %dma_start3A_92 = tpu.memref_slice %arg9[%add3A_38] : memref<20480xf32, #tpu.memory_space<hbm>> -> memref<128xf32, #tpu.memory_space<hbm>>
      tpu.enqueue_dma source(%arg12 : memref<128xf32, #tpu.memory_space<vmem>>) target(%dma_start3A_92 : memref<128xf32, #tpu.memory_space<hbm>>) target_semaphore(%run_scoped3A : memref<!tpu.dma_semaphore, #tpu.memory_space<semaphore_mem>>)
      %dma_wait3A_93 = tpu.memref_slice %arg9[%add3A_38] : memref<20480xf32, #tpu.memory_space<hbm>> -> memref<128xf32, #tpu.memory_space<hbm>>
      %dma_wait3A_94 = tpu.memref_slice %arg9[%add3A_38] : memref<20480xf32, #tpu.memory_space<hbm>> -> memref<128xf32, #tpu.memory_space<hbm>>
      tpu.wait_dma2 semaphore(%run_scoped3A : memref<!tpu.dma_semaphore, #tpu.memory_space<semaphore_mem>>) src(%arg12 : memref<128xf32, #tpu.memory_space<vmem>>) dst(%dma_wait3A_94 : memref<128xf32, #tpu.memory_space<hbm>>)
      tpu.yield
    }) : () -> ()
    %dma_start3A_51 = arith.constant 0 : i32
    %dma_start3A_52 = tpu.memref_slice %arg5[%dma_start3A_51] : memref<20480xf32, #tpu.memory_space<hbm>> -> memref<20480xf32, #tpu.memory_space<hbm>>
    tpu.enqueue_indirect_dma source(%dma_start3A_52 : memref<20480xf32, #tpu.memory_space<hbm>>) target(%arg12 : memref<128xf32, #tpu.memory_space<vmem>>) offsets(%arg11 : memref<128xi32, #tpu.memory_space<vmem>>) semaphore(%arg13 : memref<!tpu.dma_semaphore, #tpu.memory_space<semaphore_mem>>)
    %dma_wait3A_53 = arith.constant 0 : i32
    %dma_wait3A_54 = tpu.memref_slice %arg5[%dma_wait3A_53] : memref<20480xf32, #tpu.memory_space<hbm>> -> memref<20480xf32, #tpu.memory_space<hbm>>
    tpu.wait_indirect_dma semaphore(%arg13 : memref<!tpu.dma_semaphore, #tpu.memory_space<semaphore_mem>>) src(%dma_wait3A_54 : memref<20480xf32, #tpu.memory_space<hbm>>) dst(%arg12 : memref<128xf32, #tpu.memory_space<vmem>>)
    "tpu.region"() ({
      %run_scoped3A = tpu.sem_alloc : memref<!tpu.dma_semaphore, #tpu.memory_space<semaphore_mem>>
      %dma_start3A_91 = tpu.memref_slice %arg10[%add3A_38] : memref<20480xf32, #tpu.memory_space<hbm>> -> memref<128xf32, #tpu.memory_space<hbm>>
      %dma_start3A_92 = tpu.memref_slice %arg10[%add3A_38] : memref<20480xf32, #tpu.memory_space<hbm>> -> memref<128xf32, #tpu.memory_space<hbm>>
      tpu.enqueue_dma source(%arg12 : memref<128xf32, #tpu.memory_space<vmem>>) target(%dma_start3A_92 : memref<128xf32, #tpu.memory_space<hbm>>) target_semaphore(%run_scoped3A : memref<!tpu.dma_semaphore, #tpu.memory_space<semaphore_mem>>)
      %dma_wait3A_93 = tpu.memref_slice %arg10[%add3A_38] : memref<20480xf32, #tpu.memory_space<hbm>> -> memref<128xf32, #tpu.memory_space<hbm>>
      %dma_wait3A_94 = tpu.memref_slice %arg10[%add3A_38] : memref<20480xf32, #tpu.memory_space<hbm>> -> memref<128xf32, #tpu.memory_space<hbm>>
      tpu.wait_dma2 semaphore(%run_scoped3A : memref<!tpu.dma_semaphore, #tpu.memory_space<semaphore_mem>>) src(%arg12 : memref<128xf32, #tpu.memory_space<vmem>>) dst(%dma_wait3A_94 : memref<128xf32, #tpu.memory_space<hbm>>)
      tpu.yield
    }) : () -> ()
    %add3A_55 = arith.constant 384 : i32
    %add3A_56 = arith.addi %mul3A_2, %add3A_55 : i32
    "tpu.region"() ({
      %run_scoped3A = tpu.sem_alloc : memref<!tpu.dma_semaphore, #tpu.memory_space<semaphore_mem>>
      %dma_start3A_91 = tpu.memref_slice %arg6[%add3A_56] : memref<20480xi32, #tpu.memory_space<hbm>> -> memref<128xi32, #tpu.memory_space<hbm>>
      %dma_start3A_92 = tpu.memref_slice %arg6[%add3A_56] : memref<20480xi32, #tpu.memory_space<hbm>> -> memref<128xi32, #tpu.memory_space<hbm>>
      tpu.enqueue_dma source(%dma_start3A_92 : memref<128xi32, #tpu.memory_space<hbm>>) target(%arg11 : memref<128xi32, #tpu.memory_space<vmem>>) target_semaphore(%run_scoped3A : memref<!tpu.dma_semaphore, #tpu.memory_space<semaphore_mem>>)
      %dma_wait3A_93 = tpu.memref_slice %arg6[%add3A_56] : memref<20480xi32, #tpu.memory_space<hbm>> -> memref<128xi32, #tpu.memory_space<hbm>>
      %dma_wait3A_94 = tpu.memref_slice %arg6[%add3A_56] : memref<20480xi32, #tpu.memory_space<hbm>> -> memref<128xi32, #tpu.memory_space<hbm>>
      tpu.wait_dma2 semaphore(%run_scoped3A : memref<!tpu.dma_semaphore, #tpu.memory_space<semaphore_mem>>) src(%dma_wait3A_94 : memref<128xi32, #tpu.memory_space<hbm>>) dst(%arg11 : memref<128xi32, #tpu.memory_space<vmem>>)
      tpu.yield
    }) : () -> ()
    %dma_start3A_57 = arith.constant 0 : i32
    %dma_start3A_58 = tpu.memref_slice %arg2[%dma_start3A_57] : memref<20480xf32, #tpu.memory_space<hbm>> -> memref<20480xf32, #tpu.memory_space<hbm>>
    tpu.enqueue_indirect_dma source(%dma_start3A_58 : memref<20480xf32, #tpu.memory_space<hbm>>) target(%arg12 : memref<128xf32, #tpu.memory_space<vmem>>) offsets(%arg11 : memref<128xi32, #tpu.memory_space<vmem>>) semaphore(%arg13 : memref<!tpu.dma_semaphore, #tpu.memory_space<semaphore_mem>>)
    %dma_wait3A_59 = arith.constant 0 : i32
    %dma_wait3A_60 = tpu.memref_slice %arg2[%dma_wait3A_59] : memref<20480xf32, #tpu.memory_space<hbm>> -> memref<20480xf32, #tpu.memory_space<hbm>>
    tpu.wait_indirect_dma semaphore(%arg13 : memref<!tpu.dma_semaphore, #tpu.memory_space<semaphore_mem>>) src(%dma_wait3A_60 : memref<20480xf32, #tpu.memory_space<hbm>>) dst(%arg12 : memref<128xf32, #tpu.memory_space<vmem>>)
    "tpu.region"() ({
      %run_scoped3A = tpu.sem_alloc : memref<!tpu.dma_semaphore, #tpu.memory_space<semaphore_mem>>
      %dma_start3A_91 = tpu.memref_slice %arg7[%add3A_56] : memref<20480xf32, #tpu.memory_space<hbm>> -> memref<128xf32, #tpu.memory_space<hbm>>
      %dma_start3A_92 = tpu.memref_slice %arg7[%add3A_56] : memref<20480xf32, #tpu.memory_space<hbm>> -> memref<128xf32, #tpu.memory_space<hbm>>
      tpu.enqueue_dma source(%arg12 : memref<128xf32, #tpu.memory_space<vmem>>) target(%dma_start3A_92 : memref<128xf32, #tpu.memory_space<hbm>>) target_semaphore(%run_scoped3A : memref<!tpu.dma_semaphore, #tpu.memory_space<semaphore_mem>>)
      %dma_wait3A_93 = tpu.memref_slice %arg7[%add3A_56] : memref<20480xf32, #tpu.memory_space<hbm>> -> memref<128xf32, #tpu.memory_space<hbm>>
      %dma_wait3A_94 = tpu.memref_slice %arg7[%add3A_56] : memref<20480xf32, #tpu.memory_space<hbm>> -> memref<128xf32, #tpu.memory_space<hbm>>
      tpu.wait_dma2 semaphore(%run_scoped3A : memref<!tpu.dma_semaphore, #tpu.memory_space<semaphore_mem>>) src(%arg12 : memref<128xf32, #tpu.memory_space<vmem>>) dst(%dma_wait3A_94 : memref<128xf32, #tpu.memory_space<hbm>>)
      tpu.yield
    }) : () -> ()
    %dma_start3A_61 = arith.constant 0 : i32
    %dma_start3A_62 = tpu.memref_slice %arg3[%dma_start3A_61] : memref<20480xf32, #tpu.memory_space<hbm>> -> memref<20480xf32, #tpu.memory_space<hbm>>
    tpu.enqueue_indirect_dma source(%dma_start3A_62 : memref<20480xf32, #tpu.memory_space<hbm>>) target(%arg12 : memref<128xf32, #tpu.memory_space<vmem>>) offsets(%arg11 : memref<128xi32, #tpu.memory_space<vmem>>) semaphore(%arg13 : memref<!tpu.dma_semaphore, #tpu.memory_space<semaphore_mem>>)
    %dma_wait3A_63 = arith.constant 0 : i32
    %dma_wait3A_64 = tpu.memref_slice %arg3[%dma_wait3A_63] : memref<20480xf32, #tpu.memory_space<hbm>> -> memref<20480xf32, #tpu.memory_space<hbm>>
    tpu.wait_indirect_dma semaphore(%arg13 : memref<!tpu.dma_semaphore, #tpu.memory_space<semaphore_mem>>) src(%dma_wait3A_64 : memref<20480xf32, #tpu.memory_space<hbm>>) dst(%arg12 : memref<128xf32, #tpu.memory_space<vmem>>)
    "tpu.region"() ({
      %run_scoped3A = tpu.sem_alloc : memref<!tpu.dma_semaphore, #tpu.memory_space<semaphore_mem>>
      %dma_start3A_91 = tpu.memref_slice %arg8[%add3A_56] : memref<20480xf32, #tpu.memory_space<hbm>> -> memref<128xf32, #tpu.memory_space<hbm>>
      %dma_start3A_92 = tpu.memref_slice %arg8[%add3A_56] : memref<20480xf32, #tpu.memory_space<hbm>> -> memref<128xf32, #tpu.memory_space<hbm>>
      tpu.enqueue_dma source(%arg12 : memref<128xf32, #tpu.memory_space<vmem>>) target(%dma_start3A_92 : memref<128xf32, #tpu.memory_space<hbm>>) target_semaphore(%run_scoped3A : memref<!tpu.dma_semaphore, #tpu.memory_space<semaphore_mem>>)
      %dma_wait3A_93 = tpu.memref_slice %arg8[%add3A_56] : memref<20480xf32, #tpu.memory_space<hbm>> -> memref<128xf32, #tpu.memory_space<hbm>>
      %dma_wait3A_94 = tpu.memref_slice %arg8[%add3A_56] : memref<20480xf32, #tpu.memory_space<hbm>> -> memref<128xf32, #tpu.memory_space<hbm>>
      tpu.wait_dma2 semaphore(%run_scoped3A : memref<!tpu.dma_semaphore, #tpu.memory_space<semaphore_mem>>) src(%arg12 : memref<128xf32, #tpu.memory_space<vmem>>) dst(%dma_wait3A_94 : memref<128xf32, #tpu.memory_space<hbm>>)
      tpu.yield
    }) : () -> ()
    %dma_start3A_65 = arith.constant 0 : i32
    %dma_start3A_66 = tpu.memref_slice %arg4[%dma_start3A_65] : memref<20480xf32, #tpu.memory_space<hbm>> -> memref<20480xf32, #tpu.memory_space<hbm>>
    tpu.enqueue_indirect_dma source(%dma_start3A_66 : memref<20480xf32, #tpu.memory_space<hbm>>) target(%arg12 : memref<128xf32, #tpu.memory_space<vmem>>) offsets(%arg11 : memref<128xi32, #tpu.memory_space<vmem>>) semaphore(%arg13 : memref<!tpu.dma_semaphore, #tpu.memory_space<semaphore_mem>>)
    %dma_wait3A_67 = arith.constant 0 : i32
    %dma_wait3A_68 = tpu.memref_slice %arg4[%dma_wait3A_67] : memref<20480xf32, #tpu.memory_space<hbm>> -> memref<20480xf32, #tpu.memory_space<hbm>>
    tpu.wait_indirect_dma semaphore(%arg13 : memref<!tpu.dma_semaphore, #tpu.memory_space<semaphore_mem>>) src(%dma_wait3A_68 : memref<20480xf32, #tpu.memory_space<hbm>>) dst(%arg12 : memref<128xf32, #tpu.memory_space<vmem>>)
    "tpu.region"() ({
      %run_scoped3A = tpu.sem_alloc : memref<!tpu.dma_semaphore, #tpu.memory_space<semaphore_mem>>
      %dma_start3A_91 = tpu.memref_slice %arg9[%add3A_56] : memref<20480xf32, #tpu.memory_space<hbm>> -> memref<128xf32, #tpu.memory_space<hbm>>
      %dma_start3A_92 = tpu.memref_slice %arg9[%add3A_56] : memref<20480xf32, #tpu.memory_space<hbm>> -> memref<128xf32, #tpu.memory_space<hbm>>
      tpu.enqueue_dma source(%arg12 : memref<128xf32, #tpu.memory_space<vmem>>) target(%dma_start3A_92 : memref<128xf32, #tpu.memory_space<hbm>>) target_semaphore(%run_scoped3A : memref<!tpu.dma_semaphore, #tpu.memory_space<semaphore_mem>>)
      %dma_wait3A_93 = tpu.memref_slice %arg9[%add3A_56] : memref<20480xf32, #tpu.memory_space<hbm>> -> memref<128xf32, #tpu.memory_space<hbm>>
      %dma_wait3A_94 = tpu.memref_slice %arg9[%add3A_56] : memref<20480xf32, #tpu.memory_space<hbm>> -> memref<128xf32, #tpu.memory_space<hbm>>
      tpu.wait_dma2 semaphore(%run_scoped3A : memref<!tpu.dma_semaphore, #tpu.memory_space<semaphore_mem>>) src(%arg12 : memref<128xf32, #tpu.memory_space<vmem>>) dst(%dma_wait3A_94 : memref<128xf32, #tpu.memory_space<hbm>>)
      tpu.yield
    }) : () -> ()
    %dma_start3A_69 = arith.constant 0 : i32
    %dma_start3A_70 = tpu.memref_slice %arg5[%dma_start3A_69] : memref<20480xf32, #tpu.memory_space<hbm>> -> memref<20480xf32, #tpu.memory_space<hbm>>
    tpu.enqueue_indirect_dma source(%dma_start3A_70 : memref<20480xf32, #tpu.memory_space<hbm>>) target(%arg12 : memref<128xf32, #tpu.memory_space<vmem>>) offsets(%arg11 : memref<128xi32, #tpu.memory_space<vmem>>) semaphore(%arg13 : memref<!tpu.dma_semaphore, #tpu.memory_space<semaphore_mem>>)
    %dma_wait3A_71 = arith.constant 0 : i32
    %dma_wait3A_72 = tpu.memref_slice %arg5[%dma_wait3A_71] : memref<20480xf32, #tpu.memory_space<hbm>> -> memref<20480xf32, #tpu.memory_space<hbm>>
    tpu.wait_indirect_dma semaphore(%arg13 : memref<!tpu.dma_semaphore, #tpu.memory_space<semaphore_mem>>) src(%dma_wait3A_72 : memref<20480xf32, #tpu.memory_space<hbm>>) dst(%arg12 : memref<128xf32, #tpu.memory_space<vmem>>)
    "tpu.region"() ({
      %run_scoped3A = tpu.sem_alloc : memref<!tpu.dma_semaphore, #tpu.memory_space<semaphore_mem>>
      %dma_start3A_91 = tpu.memref_slice %arg10[%add3A_56] : memref<20480xf32, #tpu.memory_space<hbm>> -> memref<128xf32, #tpu.memory_space<hbm>>
      %dma_start3A_92 = tpu.memref_slice %arg10[%add3A_56] : memref<20480xf32, #tpu.memory_space<hbm>> -> memref<128xf32, #tpu.memory_space<hbm>>
      tpu.enqueue_dma source(%arg12 : memref<128xf32, #tpu.memory_space<vmem>>) target(%dma_start3A_92 : memref<128xf32, #tpu.memory_space<hbm>>) target_semaphore(%run_scoped3A : memref<!tpu.dma_semaphore, #tpu.memory_space<semaphore_mem>>)
      %dma_wait3A_93 = tpu.memref_slice %arg10[%add3A_56] : memref<20480xf32, #tpu.memory_space<hbm>> -> memref<128xf32, #tpu.memory_space<hbm>>
      %dma_wait3A_94 = tpu.memref_slice %arg10[%add3A_56] : memref<20480xf32, #tpu.memory_space<hbm>> -> memref<128xf32, #tpu.memory_space<hbm>>
      tpu.wait_dma2 semaphore(%run_scoped3A : memref<!tpu.dma_semaphore, #tpu.memory_space<semaphore_mem>>) src(%arg12 : memref<128xf32, #tpu.memory_space<vmem>>) dst(%dma_wait3A_94 : memref<128xf32, #tpu.memory_space<hbm>>)
      tpu.yield
    }) : () -> ()
    %add3A_73 = arith.constant 512 : i32
    %add3A_74 = arith.addi %mul3A_2, %add3A_73 : i32
    "tpu.region"() ({
      %run_scoped3A = tpu.sem_alloc : memref<!tpu.dma_semaphore, #tpu.memory_space<semaphore_mem>>
      %dma_start3A_91 = tpu.memref_slice %arg6[%add3A_74] : memref<20480xi32, #tpu.memory_space<hbm>> -> memref<128xi32, #tpu.memory_space<hbm>>
      %dma_start3A_92 = tpu.memref_slice %arg6[%add3A_74] : memref<20480xi32, #tpu.memory_space<hbm>> -> memref<128xi32, #tpu.memory_space<hbm>>
      tpu.enqueue_dma source(%dma_start3A_92 : memref<128xi32, #tpu.memory_space<hbm>>) target(%arg11 : memref<128xi32, #tpu.memory_space<vmem>>) target_semaphore(%run_scoped3A : memref<!tpu.dma_semaphore, #tpu.memory_space<semaphore_mem>>)
      %dma_wait3A_93 = tpu.memref_slice %arg6[%add3A_74] : memref<20480xi32, #tpu.memory_space<hbm>> -> memref<128xi32, #tpu.memory_space<hbm>>
      %dma_wait3A_94 = tpu.memref_slice %arg6[%add3A_74] : memref<20480xi32, #tpu.memory_space<hbm>> -> memref<128xi32, #tpu.memory_space<hbm>>
      tpu.wait_dma2 semaphore(%run_scoped3A : memref<!tpu.dma_semaphore, #tpu.memory_space<semaphore_mem>>) src(%dma_wait3A_94 : memref<128xi32, #tpu.memory_space<hbm>>) dst(%arg11 : memref<128xi32, #tpu.memory_space<vmem>>)
      tpu.yield
    }) : () -> ()
    %dma_start3A_75 = arith.constant 0 : i32
    %dma_start3A_76 = tpu.memref_slice %arg2[%dma_start3A_75] : memref<20480xf32, #tpu.memory_space<hbm>> -> memref<20480xf32, #tpu.memory_space<hbm>>
    tpu.enqueue_indirect_dma source(%dma_start3A_76 : memref<20480xf32, #tpu.memory_space<hbm>>) target(%arg12 : memref<128xf32, #tpu.memory_space<vmem>>) offsets(%arg11 : memref<128xi32, #tpu.memory_space<vmem>>) semaphore(%arg13 : memref<!tpu.dma_semaphore, #tpu.memory_space<semaphore_mem>>)
    %dma_wait3A_77 = arith.constant 0 : i32
    %dma_wait3A_78 = tpu.memref_slice %arg2[%dma_wait3A_77] : memref<20480xf32, #tpu.memory_space<hbm>> -> memref<20480xf32, #tpu.memory_space<hbm>>
    tpu.wait_indirect_dma semaphore(%arg13 : memref<!tpu.dma_semaphore, #tpu.memory_space<semaphore_mem>>) src(%dma_wait3A_78 : memref<20480xf32, #tpu.memory_space<hbm>>) dst(%arg12 : memref<128xf32, #tpu.memory_space<vmem>>)
    "tpu.region"() ({
      %run_scoped3A = tpu.sem_alloc : memref<!tpu.dma_semaphore, #tpu.memory_space<semaphore_mem>>
      %dma_start3A_91 = tpu.memref_slice %arg7[%add3A_74] : memref<20480xf32, #tpu.memory_space<hbm>> -> memref<128xf32, #tpu.memory_space<hbm>>
      %dma_start3A_92 = tpu.memref_slice %arg7[%add3A_74] : memref<20480xf32, #tpu.memory_space<hbm>> -> memref<128xf32, #tpu.memory_space<hbm>>
      tpu.enqueue_dma source(%arg12 : memref<128xf32, #tpu.memory_space<vmem>>) target(%dma_start3A_92 : memref<128xf32, #tpu.memory_space<hbm>>) target_semaphore(%run_scoped3A : memref<!tpu.dma_semaphore, #tpu.memory_space<semaphore_mem>>)
      %dma_wait3A_93 = tpu.memref_slice %arg7[%add3A_74] : memref<20480xf32, #tpu.memory_space<hbm>> -> memref<128xf32, #tpu.memory_space<hbm>>
      %dma_wait3A_94 = tpu.memref_slice %arg7[%add3A_74] : memref<20480xf32, #tpu.memory_space<hbm>> -> memref<128xf32, #tpu.memory_space<hbm>>
      tpu.wait_dma2 semaphore(%run_scoped3A : memref<!tpu.dma_semaphore, #tpu.memory_space<semaphore_mem>>) src(%arg12 : memref<128xf32, #tpu.memory_space<vmem>>) dst(%dma_wait3A_94 : memref<128xf32, #tpu.memory_space<hbm>>)
      tpu.yield
    }) : () -> ()
    %dma_start3A_79 = arith.constant 0 : i32
    %dma_start3A_80 = tpu.memref_slice %arg3[%dma_start3A_79] : memref<20480xf32, #tpu.memory_space<hbm>> -> memref<20480xf32, #tpu.memory_space<hbm>>
    tpu.enqueue_indirect_dma source(%dma_start3A_80 : memref<20480xf32, #tpu.memory_space<hbm>>) target(%arg12 : memref<128xf32, #tpu.memory_space<vmem>>) offsets(%arg11 : memref<128xi32, #tpu.memory_space<vmem>>) semaphore(%arg13 : memref<!tpu.dma_semaphore, #tpu.memory_space<semaphore_mem>>)
    %dma_wait3A_81 = arith.constant 0 : i32
    %dma_wait3A_82 = tpu.memref_slice %arg3[%dma_wait3A_81] : memref<20480xf32, #tpu.memory_space<hbm>> -> memref<20480xf32, #tpu.memory_space<hbm>>
    tpu.wait_indirect_dma semaphore(%arg13 : memref<!tpu.dma_semaphore, #tpu.memory_space<semaphore_mem>>) src(%dma_wait3A_82 : memref<20480xf32, #tpu.memory_space<hbm>>) dst(%arg12 : memref<128xf32, #tpu.memory_space<vmem>>)
    "tpu.region"() ({
      %run_scoped3A = tpu.sem_alloc : memref<!tpu.dma_semaphore, #tpu.memory_space<semaphore_mem>>
      %dma_start3A_91 = tpu.memref_slice %arg8[%add3A_74] : memref<20480xf32, #tpu.memory_space<hbm>> -> memref<128xf32, #tpu.memory_space<hbm>>
      %dma_start3A_92 = tpu.memref_slice %arg8[%add3A_74] : memref<20480xf32, #tpu.memory_space<hbm>> -> memref<128xf32, #tpu.memory_space<hbm>>
      tpu.enqueue_dma source(%arg12 : memref<128xf32, #tpu.memory_space<vmem>>) target(%dma_start3A_92 : memref<128xf32, #tpu.memory_space<hbm>>) target_semaphore(%run_scoped3A : memref<!tpu.dma_semaphore, #tpu.memory_space<semaphore_mem>>)
      %dma_wait3A_93 = tpu.memref_slice %arg8[%add3A_74] : memref<20480xf32, #tpu.memory_space<hbm>> -> memref<128xf32, #tpu.memory_space<hbm>>
      %dma_wait3A_94 = tpu.memref_slice %arg8[%add3A_74] : memref<20480xf32, #tpu.memory_space<hbm>> -> memref<128xf32, #tpu.memory_space<hbm>>
      tpu.wait_dma2 semaphore(%run_scoped3A : memref<!tpu.dma_semaphore, #tpu.memory_space<semaphore_mem>>) src(%arg12 : memref<128xf32, #tpu.memory_space<vmem>>) dst(%dma_wait3A_94 : memref<128xf32, #tpu.memory_space<hbm>>)
      tpu.yield
    }) : () -> ()
    %dma_start3A_83 = arith.constant 0 : i32
    %dma_start3A_84 = tpu.memref_slice %arg4[%dma_start3A_83] : memref<20480xf32, #tpu.memory_space<hbm>> -> memref<20480xf32, #tpu.memory_space<hbm>>
    tpu.enqueue_indirect_dma source(%dma_start3A_84 : memref<20480xf32, #tpu.memory_space<hbm>>) target(%arg12 : memref<128xf32, #tpu.memory_space<vmem>>) offsets(%arg11 : memref<128xi32, #tpu.memory_space<vmem>>) semaphore(%arg13 : memref<!tpu.dma_semaphore, #tpu.memory_space<semaphore_mem>>)
    %dma_wait3A_85 = arith.constant 0 : i32
    %dma_wait3A_86 = tpu.memref_slice %arg4[%dma_wait3A_85] : memref<20480xf32, #tpu.memory_space<hbm>> -> memref<20480xf32, #tpu.memory_space<hbm>>
    tpu.wait_indirect_dma semaphore(%arg13 : memref<!tpu.dma_semaphore, #tpu.memory_space<semaphore_mem>>) src(%dma_wait3A_86 : memref<20480xf32, #tpu.memory_space<hbm>>) dst(%arg12 : memref<128xf32, #tpu.memory_space<vmem>>)
    "tpu.region"() ({
      %run_scoped3A = tpu.sem_alloc : memref<!tpu.dma_semaphore, #tpu.memory_space<semaphore_mem>>
      %dma_start3A_91 = tpu.memref_slice %arg9[%add3A_74] : memref<20480xf32, #tpu.memory_space<hbm>> -> memref<128xf32, #tpu.memory_space<hbm>>
      %dma_start3A_92 = tpu.memref_slice %arg9[%add3A_74] : memref<20480xf32, #tpu.memory_space<hbm>> -> memref<128xf32, #tpu.memory_space<hbm>>
      tpu.enqueue_dma source(%arg12 : memref<128xf32, #tpu.memory_space<vmem>>) target(%dma_start3A_92 : memref<128xf32, #tpu.memory_space<hbm>>) target_semaphore(%run_scoped3A : memref<!tpu.dma_semaphore, #tpu.memory_space<semaphore_mem>>)
      %dma_wait3A_93 = tpu.memref_slice %arg9[%add3A_74] : memref<20480xf32, #tpu.memory_space<hbm>> -> memref<128xf32, #tpu.memory_space<hbm>>
      %dma_wait3A_94 = tpu.memref_slice %arg9[%add3A_74] : memref<20480xf32, #tpu.memory_space<hbm>> -> memref<128xf32, #tpu.memory_space<hbm>>
      tpu.wait_dma2 semaphore(%run_scoped3A : memref<!tpu.dma_semaphore, #tpu.memory_space<semaphore_mem>>) src(%arg12 : memref<128xf32, #tpu.memory_space<vmem>>) dst(%dma_wait3A_94 : memref<128xf32, #tpu.memory_space<hbm>>)
      tpu.yield
    }) : () -> ()
    %dma_start3A_87 = arith.constant 0 : i32
    %dma_start3A_88 = tpu.memref_slice %arg5[%dma_start3A_87] : memref<20480xf32, #tpu.memory_space<hbm>> -> memref<20480xf32, #tpu.memory_space<hbm>>
    tpu.enqueue_indirect_dma source(%dma_start3A_88 : memref<20480xf32, #tpu.memory_space<hbm>>) target(%arg12 : memref<128xf32, #tpu.memory_space<vmem>>) offsets(%arg11 : memref<128xi32, #tpu.memory_space<vmem>>) semaphore(%arg13 : memref<!tpu.dma_semaphore, #tpu.memory_space<semaphore_mem>>)
    %dma_wait3A_89 = arith.constant 0 : i32
    %dma_wait3A_90 = tpu.memref_slice %arg5[%dma_wait3A_89] : memref<20480xf32, #tpu.memory_space<hbm>> -> memref<20480xf32, #tpu.memory_space<hbm>>
    tpu.wait_indirect_dma semaphore(%arg13 : memref<!tpu.dma_semaphore, #tpu.memory_space<semaphore_mem>>) src(%dma_wait3A_90 : memref<20480xf32, #tpu.memory_space<hbm>>) dst(%arg12 : memref<128xf32, #tpu.memory_space<vmem>>)
    "tpu.region"() ({
      %run_scoped3A = tpu.sem_alloc : memref<!tpu.dma_semaphore, #tpu.memory_space<semaphore_mem>>
      %dma_start3A_91 = tpu.memref_slice %arg10[%add3A_74] : memref<20480xf32, #tpu.memory_space<hbm>> -> memref<128xf32, #tpu.memory_space<hbm>>
      %dma_start3A_92 = tpu.memref_slice %arg10[%add3A_74] : memref<20480xf32, #tpu.memory_space<hbm>> -> memref<128xf32, #tpu.memory_space<hbm>>
      tpu.enqueue_dma source(%arg12 : memref<128xf32, #tpu.memory_space<vmem>>) target(%dma_start3A_92 : memref<128xf32, #tpu.memory_space<hbm>>) target_semaphore(%run_scoped3A : memref<!tpu.dma_semaphore, #tpu.memory_space<semaphore_mem>>)
      %dma_wait3A_93 = tpu.memref_slice %arg10[%add3A_74] : memref<20480xf32, #tpu.memory_space<hbm>> -> memref<128xf32, #tpu.memory_space<hbm>>
      %dma_wait3A_94 = tpu.memref_slice %arg10[%add3A_74] : memref<20480xf32, #tpu.memory_space<hbm>> -> memref<128xf32, #tpu.memory_space<hbm>>
      tpu.wait_dma2 semaphore(%run_scoped3A : memref<!tpu.dma_semaphore, #tpu.memory_space<semaphore_mem>>) src(%arg12 : memref<128xf32, #tpu.memory_space<vmem>>) dst(%dma_wait3A_94 : memref<128xf32, #tpu.memory_space<hbm>>)
      tpu.yield
    }) : () -> ()
    return
  }
}

</mosaic_0001>

<sc_bundles>
// kernel: _gather_call.3.cloned.1.call-start
scs
__scs_entry_jumppad:
0x0: {  	(pc) =	sbr.rel $0x88, $3  }
0x1: {  	(tag) =	ssettag $0x0;
	lr =	simm.s32 $0x1  }
0x2: {  	[smem:$0x3F9C] =	sst lr;
	_ =	strace $0xD0000000  }
0x3: {  	_ = 	snop  }
0x4: {  	_ = 	snop  }
0x5: {  	_ = 	snop  }
0x6: {  	_ = 	snop  }
0x7: {  	_ = 	snop  }
__scs_overlays_trampoline_lowered:
0x8: {  	[smem:$0x3FAB] =	sst s0  }
0x9: {  	[smem:$0x3FAC] =	sst s1  }
0xa: {  	[smem:$0x3FAD] =	sst s2  }
0xb: {  	[smem:$0x3FAE] =	sst s3  }
0xc: {  	[smem:$0x3FAF] =	sst s4  }
0xd: {  	[smem:$0x3FB0] =	sst s5  }
0xe: {  	[smem:$0x3FB1] =	sst s6  }
0xf: {  	[smem:$0x3FB2] =	sst s7  }
0x10: {  	[smem:$0x3FB3] =	sst s8  }
0x11: {  	[smem:$0x3FB4] =	sst s9;
	s0 =	simm.s32 @!p0 $0x0  }
0x12: {  	s1 =	sld [smem:$0x3F9A];
	s0 =	simm.s32 @p0 $0x1  }
0x13: {  	[smem:$0x3FB5] =	sst s0;
	s0 =	simm.s32 @!p1 $0x0  }
0x14: {  	s2 =	sld [smem:$0x3F99];
	s0 =	simm.s32 @p1 $0x1  }
0x15: {  	[smem:$0x3FB6] =	sst s0;
	s0 =	simm.s32 @!p2 $0x0  }
0x16: {  	s3 =	sld [smem:$0x3FDB];
	s0 =	simm.s32 @p2 $0x1  }
0x17: {  	s4 =	simm.s32 $0x1BF5;
	[smem:$0x3FB8] =	sst s0  }
0x18: {  	s0 =	sld [smem:$0x3F9B];
	_ =	swait.ge [sflag:s4], $0x0  }
0x19: {  	s7 =	sld [smem:$0x3F9C]  }
0x1a: {  	s8 =	sadd.s32 $0xFFFFE003, lr  }
0x1b: {  	s9 =	sadd.s32 $0xFFFFFEF7, lr;
	s5 =	simm.s32 $0xFFFFFFFF;
	p2 =	slt.u32 s8, $0xFFFFF086  }
0x1c: {  	p1 =	slt.u32 s9, $0xF7A;
	s5 =	simm.s32 @!p2 $0x0  }
0x1d: {  	s5 =	simm.s32 @p1 $0x1;
	p0 =	seq.s32 s7, s2  }
0x1e: {  	s7 =	smul.u32 @!p0 $0xF7A, s2;
	p2 =	seq.s32 @!p0 s5, $0x0  }
0x1f: {  	s9 =	smul.u32 $0xF7A, s1;
	s8 =	simm.s32 @!p0 $0x1BF5;
	p2 =	por !p2, p0  }
0x20: {  	[sflag:s8] =	ssyncset.s32 @!p0 $0xFFFFF086;
	s6 =	sadd.s32 @!p0 s3, s7;
	s7 =	simm.s32 @!p0 $0x108  }
0x21: {  	s3 =	sadd.s32 s3, s9;
	s6 =	sadd.s32 @!p0 $0x88, s6;
	s7 =	simm.s32 @p2 $0x1082  }
0x22: {  	[simem:s7], [sflag:s8] =	dma.local @!p0 [hbm:s6], $0xF7A  }
0x23: {  	s9 =	sor.u32 $0xD0000000, s2;
	s6 =	simm.s32 $0x108;
	_ =	swait.ge @!p0 [sflag:s8], $0x0  }
0x24: {  	s3 =	sadd.s32 $0x88, s3;
	s6 =	simm.s32 @!p1 $0x1082;
	[sflag:s4] =	ssyncset.s32 $0xFFFFF086  }
0x25: {  	[simem:s6], [sflag:s4] =	dma.local [hbm:s3], $0xF7A  }
0x26: {  	[smem:$0x3F9C] =	sst s1;
	(tag) =	ssettag s2;
	_ =	strace s9  }
0x27: {  	s1 =	sld [smem:$0x3FAC]  }
0x28: {  	s2 =	sld [smem:$0x3FAD]  }
0x29: {  	s4 =	sld [smem:$0x3FAF]  }
0x2a: {  	p0 =	seq.s32 s5, $0x0;
	s5 =	sld [smem:$0x3FB0]  }
0x2b: {  	s6 =	sld [smem:$0x3FB1]  }
0x2c: {  	s7 =	sld [smem:$0x3FB2]  }
0x2d: {  	s3 =	simm.s32 $0x108;
	s8 =	sld [smem:$0x3FB3]  }
0x2e: {  	s3 =	simm.s32 @!p0 $0x1082;
	s9 =	sld [smem:$0x3FB4]  }
0x2f: {  	lr =	sadd.s32 s0, s3;
	s0 =	sld [smem:$0x3FAB]  }
0x30: {  	s3 =	sld [smem:$0x3FAE]  }
0x31: {  	[smem:$0x3FB7] =	sst s10  }
0x32: {  	s10 =	sld [smem:$0x3FB5];
	_ =	sdelay $0x3  }
0x33: {  	p0 =	seq.s32 s10, $0x1;
	s10 =	sld [smem:$0x3FB7];
	_ =	sdelay $0x3  }
0x34: {  	[smem:$0x3FB7] =	sst s10  }
0x35: {  	s10 =	sld [smem:$0x3FB6];
	_ =	sdelay $0x3  }
0x36: {  	p1 =	seq.s32 s10, $0x1;
	s10 =	sld [smem:$0x3FB7];
	_ =	sdelay $0x3  }
0x37: {  	[smem:$0x3FB7] =	sst s10  }
0x38: {  	s10 =	sld [smem:$0x3FB8]  }
0x39: {  	_ = 	snop;
	(pc) =	sbr.ind lr, $3  }
0x3a: {  	_ = 	snop  }
0x3b: {  	_ = 	snop  }
0x3c: {  	p2 =	seq.s32 s10, $0x1;
	s10 =	sld [smem:$0x3FB7]  }
0x3d: {  	_ =	shalt  }
0x3e: {  	_ =	shalt  }
0x3f: {  	_ =	shalt  }
0x40: {  	_ =	shalt  }
0x41: {  	_ =	shalt  }
0x42: {  	_ =	shalt  }
0x43: {  	_ =	shalt  }
0x44: {  	_ =	shalt  }
0x45: {  	_ =	shalt  }
0x46: {  	_ =	shalt  }
0x47: {  	_ =	shalt  }
0x48: {  	_ =	shalt  }
0x49: {  	_ =	shalt  }
0x4a: {  	_ =	shalt  }
0x4b: {  	_ =	shalt  }
0x4c: {  	_ =	shalt  }
0x4d: {  	_ =	shalt  }
0x4e: {  	_ =	shalt  }
0x4f: {  	_ =	shalt  }
0x50: {  	_ =	shalt  }
0x51: {  	_ =	shalt  }
0x52: {  	_ =	shalt  }
0x53: {  	_ =	shalt  }
0x54: {  	_ =	shalt  }
0x55: {  	_ =	shalt  }
0x56: {  	_ =	shalt  }
0x57: {  	_ =	shalt  }
0x58: {  	_ =	shalt  }
0x59: {  	_ =	shalt  }
0x5a: {  	_ =	shalt  }
0x5b: {  	_ =	shalt  }
0x5c: {  	_ =	shalt  }
0x5d: {  	_ =	shalt  }
0x5e: {  	_ =	shalt  }
0x5f: {  	_ =	shalt  }
0x60: {  	_ =	shalt  }
0x61: {  	_ =	shalt  }
0x62: {  	_ =	shalt  }
0x63: {  	_ =	shalt  }
0x64: {  	_ =	shalt  }
0x65: {  	_ =	shalt  }
0x66: {  	_ =	shalt  }
0x67: {  	_ =	shalt  }
0x68: {  	_ =	shalt  }
0x69: {  	_ =	shalt  }
0x6a: {  	_ =	shalt  }
0x6b: {  	_ =	shalt  }
0x6c: {  	_ =	shalt  }
0x6d: {  	_ =	shalt  }
0x6e: {  	_ =	shalt  }
0x6f: {  	_ =	shalt  }
0x70: {  	_ =	shalt  }
0x71: {  	_ =	shalt  }
0x72: {  	_ =	shalt  }
0x73: {  	_ =	shalt  }
0x74: {  	_ =	shalt  }
0x75: {  	_ =	shalt  }
0x76: {  	_ =	shalt  }
0x77: {  	_ =	shalt  }
0x78: {  	_ =	shalt  }
0x79: {  	_ =	shalt  }
0x7a: {  	_ =	shalt  }
0x7b: {  	_ =	shalt  }
0x7c: {  	_ =	shalt  }
0x7d: {  	_ =	shalt  }
0x7e: {  	_ =	shalt  }
0x7f: {  	_ =	shalt  }
0x80: {  	_ =	shalt  }
0x81: {  	_ =	shalt  }
0x82: {  	_ =	shalt  }
0x83: {  	_ =	shalt  }
0x84: {  	_ =	shalt  }
0x85: {  	_ =	shalt  }
0x86: {  	_ =	shalt  }
0x87: {  	_ =	shalt  }
.Lfunc_end0:
.L_simem_size_0:
called_computation_lowered:
.L_overlay_start_0:
0x88: {  	s2 =	sld [smem:$0x3FD9]  }
0x89: {  	s3 =	sld [smem:$0x3FFE];
	_ =	sdelay $0x1  }
0x8a: {  	s1 =	srdreg.scid  }
0x8b: {  	s0 =	sand.u32 $0x1, s1  }
0x8c: {  	s15 =	sshll.u32 s0, $0xA;
	s2 =	sadd.s32 s3, s2  }
0x8d: {  	s2 =	sadd.s32 s2, s15  }
0x8e: {  	[smem:$0x3FC3] =	sst s2  }
0x8f: {  	_ = 	snop  }
0x90: {  	s2 =	sld [smem:$0x3FC9]  }
0x91: {  	s16 =	sld [smem:$0x3FC8]  }
0x92: {  	s4 =	sld [smem:$0x3FD0]  }
0x93: {  	s5 =	sld [smem:$0x3FC7]  }
0x94: {  	s6 =	sld [smem:$0x3FC6]  }
0x95: {  	s8 =	simm.s32 $0xA;
	s9 =	simm.s32 $0x10;
	s7 =	sld [smem:$0x3FC5]  }
0x96: {  	[smem:s9], [sflag:s8] =	dma.local [hbm:s4], $0x1  }
0x97: {  	_ =	swait.eq [sflag:s8], $0x1  }
0x98: {  	s17 =	sld [smem:$0x10]  }
0x99: {  	s18 =	sld [smem:$0x11];
	[sflag:s8] =	ssyncset.done $0x0  }
0x9a: {  	s10 =	sld [smem:$0x12];
	[sflag:s8] =	ssyncadd.s32 $0xFFFFFFFF  }
0x9b: {  	s19 =	sld [smem:$0x13];
	(tm) =	ssettm $0x1  }
0x9c: {  	s11 =	sld [smem:$0x3FFB];
	_ =	sdelay $0x3  }
0x9d: {  	_ =	strace s11  }
0x9e: {  	s11 =	sld [smem:$0x3FFC];
	_ =	sdelay $0x3  }
0x9f: {  	_ =	strace s11  }
0xa0: {  	s11 =	sld [smem:$0x3FFD];
	_ =	sdelay $0x3  }
0xa1: {  	_ =	strace s11  }
0xa2: {  	_ =	strace $0x8FFFFFFF  }
0xa3: {  	s20 =	sld [smem:$0x3FDB];
	_ =	sdelay $0x1  }
0xa4: {  	s12 =	simm.s32 $_scs_section_size  }
0xa5: {  	s13 =	simm.s32 $_size__tile_overlayer_lowered;
	s14 =	simm.s32 $_tile_overlayer_lowered  }
0xa6: {  	s23 =	simm.s32 $0x1BFF;
	s22 =	sshll.u32 s14, $0x1;
	s11 =	sadd.s32 s12, s20  }
0xa7: {  	s21 =	sshll.u32 s13, $0x1;
	s15 =	simm.s32 $0x0;
	s13 =	sadd.s32 s22, s11  }
0xa8: {  	[timem:s15], [sflag:s23] =	dma.local [hbm:s13], s21  }
0xa9: {  	_ =	swait.ge [sflag:s23], s21  }
0xaa: {  	s12 =	ssub.s32 $0x0, s21;
	[sflag:s23] =	ssyncset.done $0x0  }
0xab: {  	[sflag:s23] =	ssyncadd.s32 s12;
	_ =	sdelay $0x1  }
0xac: {  	s24 =	simm.s32 $0x1B8B  }
0xad: {  	_ =	swait.ge [sflag:s24], $0x1  }
0xae: {  	[sflag:s24] =	ssyncset.done $0x0  }
0xaf: {  	s25 =	simm.s32 $0x1B8E;
	[sflag:s24] =	ssyncadd.s32 $0xFFFFFFFF  }
0xb0: {  	s26 =	simm.s32 $execute0_lowered;
	[smem:$0x3FD2] =	sst s25  }
0xb1: {  	s12 =	sshll.u32 s26, $0x1;
	_ =	strace $0x80000046;
	[dreg:$0x1] =	wrdreg $0xFFFFFFFF  }
0xb2: {  	s28 =	simm.s32 $_size_execute0_lowered;
	s11 =	sadd.s32 s11, s12;
	[dreg:$0x0] =	wrdreg $0x0  }
0xb3: {  	s12 =	sshll.u32 s28, $0x1;
	[dreg:$0x2] =	wrdreg s11  }
0xb4: {  	[dreg:$0x3] =	wrdreg s12  }
0xb5: {  	[dreg:$0x4] =	wrdreg $0xC0  }
0xb6: {  	_ =	task [dreg:s15], $0x5FFFF  }
0xb7: {  	[dreg:$0x1] =	wrdreg $0xFFFFFFFF  }
0xb8: {  	[dreg:$0x0] =	wrdreg $0x60  }
0xb9: {  	[dreg:$0x2] =	wrdreg s2  }
0xba: {  	[dreg:$0x3] =	wrdreg s16  }
0xbb: {  	[dreg:$0x4] =	wrdreg s5  }
0xbc: {  	[dreg:$0x5] =	wrdreg s6  }
0xbd: {  	[dreg:$0x6] =	wrdreg s7  }
0xbe: {  	[dreg:$0x7] =	wrdreg s17  }
0xbf: {  	[dreg:$0x8] =	wrdreg s18  }
0xc0: {  	[dreg:$0x9] =	wrdreg s10  }
0xc1: {  	[dreg:$0xa] =	wrdreg s19  }
0xc2: {  	[dreg:$0xb] =	wrdreg $0x9  }
0xc3: {  	_ =	task.clear_ibuf [dreg:s15], $0xCFFFF;
	_ =	strace $0x90000046  }
0xc4: {  	s29 =	simm.s32 $0x9;
	_ =	strace $0x80000048  }
0xc5: {  	_ =	swait.ge [sflag:s29], $0x1  }
0xc6: {  	[sflag:s29] =	ssyncadd.s32 $0xFFFFFFFF  }
0xc7: {  	_ =	strace $0x90000048  }
0xc8: {  	_ =	sfence  }
0xc9: {  	s30 =	sld [smem:$0x0];
	_ =	sdelay $0x2  }
0xca: {  	s31 =	sshll.u32 s1, $0xD;
	s1 =	sshrl.u32 s1, $0x2  }
0xcb: {  	s3 =	sand.u32 $0x4000, s31;
	s1 =	sadd.s32 s1, s30  }
0xcc: {  	s0 =	sor.u32 s3, s0;
	s1 =	sshll.u32 s1, $0x11  }
0xcd: {  	s0 =	sor.u32 s1, s0  }
0xce: {  	s0 =	sadd.s32 $0x8F2B, s0  }
0xcf: {  	[sflag:s0] =	ssyncadd.remote.s32 $0x1  }
0xd0: {  	_ =	sfence.sel $0xFFFF  }
0xd1: {  	[dreg:$0x0] =	wrdreg $0xFFFFFFFF;
	(pc) =	sbr.abs _section_cstart, $3  }
0xd2: {  	[dreg:$0x1] =	wrdreg $0xFFFFFFFF  }
0xd3: {  	_ =	task.clear_ibuf [dreg:s15], $0x2FFFF;
	_ =	strace $0x9FFFFFFF  }
0xd4: {  	(tm) =	ssettm $0x7FFFFFFF  }
0xd5: {  	_ =	shalt  }
tec
execute0_lowered:
.L_overlay_start_1:
0x0: {  	(tag) =	ssettag $0x1  }
0x1: {  	s0 =	rddreg [dreg:$0x0]  }
0x2: {  	s2 =	rddreg [dreg:$0x1]  }
0x3: {  	s3 =	rddreg [dreg:$0x2]  }
0x4: {  	s4 =	rddreg [dreg:$0x3]  }
0x5: {  	s1 =	srdreg.scid;
	s5 =	stileid.u32  }
0x6: {  	s26 =	rddreg [dreg:$0x4];
	s31 =	sand.u32 $0x1, s1;
	s20 =	sshll.u32 s5, $0x1  }
0x7: {  	s28 =	rddreg [dreg:$0x5];
	s1 =	sor.u32 s31, s20  }
0x8: {  	s29 =	rddreg [dreg:$0x6];
	s1 =	smul.u32 $0x280, s1  }
0x9: {  	s30 =	rddreg [dreg:$0x7]  }
0xa: {  	s6 =	simm.s32 $0x0;
	s5 =	rddreg [dreg:$0x8];
	s1 =	sshrl.u32 s1, $0x3  }
0xb: {  	[smem:$0x7FF] =	sst s6;
	s7 =	sadd.s32 s26, s1  }
0xc: {  	_ =	strace $0x80000047;
	s21 =	sadd.s32 s28, s1;
	[dreg:$0xa] =	wrdreg s7  }
0xd: {  	s22 =	sadd.s32 s29, s1;
	[dreg:$0xb] =	wrdreg s21  }
0xe: {  	s23 =	sadd.s32 s30, s1;
	[dreg:$0xc] =	wrdreg s22  }
0xf: {  	[dreg:$0xd] =	wrdreg s23  }
0x10: {  	s7 =	simm.s32 $0x2;
	s8 =	rddreg [dreg:$0xa]  }
0x11: {  	[tilespmem:s6], [sflag:$0x2] =	stream.linear.gather [hbm4b:s8+s6], $0x80, $0x38;
	[tilespmem:$0x100] =	vst v63  }
0x12: {  	_ =	swait.ge [sflag:s7], $0x80  }
0x13: {  	[sflag:s7] =	ssyncset.done $0x0  }
0x14: {  	s9 =	simm.s32 $0x1;
	s8 =	simm.s32 $0x80;
	[sflag:s7] =	ssyncadd.s32 $0xFFFFFF80  }
0x15: {  	[tilespmem:s8], [sflag:$0x1] =	stream.indirect.gather [hbm4b:s0+s8], $0x1, s6, s8, $0xb8;
	[tilespmem:$0x100] =	vst v63  }
0x16: {  	_ =	swait.ge [sflag:s9], $0x80  }
0x17: {  	[sflag:s9] =	ssyncset.done $0x0  }
0x18: {  	s10 =	rddreg [dreg:$0xb];
	[sflag:s9] =	ssyncadd.s32 $0xFFFFFF80  }
0x19: {  	[hbm4b:s10+s6] =	stream.linear.scatter [tilespmem:s8], [sflag:$0x2], $0x80, $0x38;
	[tilespmem:$0x100] =	vst v63  }
0x1a: {  	_ =	swait.ge [sflag:s7], $0x80  }
0x1b: {  	[sflag:s7] =	ssyncset.done $0x0  }
0x1c: {  	[sflag:s7] =	ssyncadd.s32 $0xFFFFFF80  }
0x1d: {  	[tilespmem:s8], [sflag:$0x1] =	stream.indirect.gather [hbm4b:s2+s8], $0x1, s6, s8, $0xb8;
	[tilespmem:$0x100] =	vst v63  }
0x1e: {  	_ =	swait.ge [sflag:s9], $0x80  }
0x1f: {  	[sflag:s9] =	ssyncset.done $0x0  }
0x20: {  	s24 =	rddreg [dreg:$0xc];
	[sflag:s9] =	ssyncadd.s32 $0xFFFFFF80  }
0x21: {  	[hbm4b:s24+s6] =	stream.linear.scatter [tilespmem:s8], [sflag:$0x2], $0x80, $0x38;
	[tilespmem:$0x100] =	vst v63  }
0x22: {  	_ =	swait.ge [sflag:s7], $0x80  }
0x23: {  	[sflag:s7] =	ssyncset.done $0x0  }
0x24: {  	[sflag:s7] =	ssyncadd.s32 $0xFFFFFF80  }
0x25: {  	[tilespmem:s8], [sflag:$0x1] =	stream.indirect.gather [hbm4b:s3+s8], $0x1, s6, s8, $0xb8;
	[tilespmem:$0x100] =	vst v63  }
0x26: {  	_ =	swait.ge [sflag:s9], $0x80  }
0x27: {  	[sflag:s9] =	ssyncset.done $0x0  }
0x28: {  	s25 =	rddreg [dreg:$0xd];
	[sflag:s9] =	ssyncadd.s32 $0xFFFFFF80  }
0x29: {  	[hbm4b:s25+s6] =	stream.linear.scatter [tilespmem:s8], [sflag:$0x2], $0x80, $0x38;
	[tilespmem:$0x100] =	vst v63  }
0x2a: {  	_ =	swait.ge [sflag:s7], $0x80  }
0x2b: {  	[sflag:s7] =	ssyncset.done $0x0  }
0x2c: {  	[sflag:s7] =	ssyncadd.s32 $0xFFFFFF80  }
0x2d: {  	[tilespmem:s8], [sflag:$0x1] =	stream.indirect.gather [hbm4b:s4+s8], $0x1, s6, s8, $0xb8;
	[tilespmem:$0x100] =	vst v63  }
0x2e: {  	_ =	swait.ge [sflag:s9], $0x80  }
0x2f: {  	[sflag:s9] =	ssyncset.done $0x0  }
0x30: {  	s10 =	sadd.s32 s5, s1;
	[sflag:s9] =	ssyncadd.s32 $0xFFFFFF80  }
0x31: {  	[hbm4b:s10+s6] =	stream.linear.scatter [tilespmem:s8], [sflag:$0x2], $0x80, $0x38;
	[tilespmem:$0x100] =	vst v63  }
0x32: {  	_ =	swait.ge [sflag:s7], $0x80  }
0x33: {  	s15 =	sadd.s32 $0x10, s1;
	[sflag:s7] =	ssyncset.done $0x0  }
0x34: {  	s11 =	sadd.s32 s26, s15;
	[sflag:s7] =	ssyncadd.s32 $0xFFFFFF80  }
0x35: {  	[tilespmem:s6], [sflag:$0x2] =	stream.linear.gather [hbm4b:s11+s6], $0x80, $0x38;
	[tilespmem:$0x100] =	vst v63  }
0x36: {  	_ =	swait.ge [sflag:s7], $0x80  }
0x37: {  	[sflag:s7] =	ssyncset.done $0x0  }
0x38: {  	[sflag:s7] =	ssyncadd.s32 $0xFFFFFF80  }
0x39: {  	[tilespmem:s8], [sflag:$0x1] =	stream.indirect.gather [hbm4b:s0+s8], $0x1, s6, s8, $0xb8;
	[tilespmem:$0x100] =	vst v63  }
0x3a: {  	_ =	swait.ge [sflag:s9], $0x80  }
0x3b: {  	[sflag:s9] =	ssyncset.done $0x0  }
0x3c: {  	s12 =	sadd.s32 s28, s15;
	[sflag:s9] =	ssyncadd.s32 $0xFFFFFF80  }
0x3d: {  	[hbm4b:s12+s6] =	stream.linear.scatter [tilespmem:s8], [sflag:$0x2], $0x80, $0x38;
	[tilespmem:$0x100] =	vst v63  }
0x3e: {  	_ =	swait.ge [sflag:s7], $0x80  }
0x3f: {  	[sflag:s7] =	ssyncset.done $0x0  }
0x40: {  	[sflag:s7] =	ssyncadd.s32 $0xFFFFFF80  }
0x41: {  	[tilespmem:s8], [sflag:$0x1] =	stream.indirect.gather [hbm4b:s2+s8], $0x1, s6, s8, $0xb8;
	[tilespmem:$0x100] =	vst v63  }
0x42: {  	_ =	swait.ge [sflag:s9], $0x80  }
0x43: {  	[sflag:s9] =	ssyncset.done $0x0  }
0x44: {  	s13 =	sadd.s32 s29, s15;
	[sflag:s9] =	ssyncadd.s32 $0xFFFFFF80  }
0x45: {  	[hbm4b:s13+s6] =	stream.linear.scatter [tilespmem:s8], [sflag:$0x2], $0x80, $0x38;
	[tilespmem:$0x100] =	vst v63  }
0x46: {  	_ =	swait.ge [sflag:s7], $0x80  }
0x47: {  	[sflag:s7] =	ssyncset.done $0x0  }
0x48: {  	[sflag:s7] =	ssyncadd.s32 $0xFFFFFF80  }
0x49: {  	[tilespmem:s8], [sflag:$0x1] =	stream.indirect.gather [hbm4b:s3+s8], $0x1, s6, s8, $0xb8;
	[tilespmem:$0x100] =	vst v63  }
0x4a: {  	_ =	swait.ge [sflag:s9], $0x80  }
0x4b: {  	[sflag:s9] =	ssyncset.done $0x0  }
0x4c: {  	s14 =	sadd.s32 s30, s15;
	[sflag:s9] =	ssyncadd.s32 $0xFFFFFF80  }
0x4d: {  	[hbm4b:s14+s6] =	stream.linear.scatter [tilespmem:s8], [sflag:$0x2], $0x80, $0x38;
	[tilespmem:$0x100] =	vst v63  }
0x4e: {  	_ =	swait.ge [sflag:s7], $0x80  }
0x4f: {  	[sflag:s7] =	ssyncset.done $0x0  }
0x50: {  	[sflag:s7] =	ssyncadd.s32 $0xFFFFFF80  }
0x51: {  	[tilespmem:s8], [sflag:$0x1] =	stream.indirect.gather [hbm4b:s4+s8], $0x1, s6, s8, $0xb8;
	[tilespmem:$0x100] =	vst v63  }
0x52: {  	_ =	swait.ge [sflag:s9], $0x80  }
0x53: {  	[sflag:s9] =	ssyncset.done $0x0  }
0x54: {  	s15 =	sadd.s32 s5, s15;
	[sflag:s9] =	ssyncadd.s32 $0xFFFFFF80  }
0x55: {  	[hbm4b:s15+s6] =	stream.linear.scatter [tilespmem:s8], [sflag:$0x2], $0x80, $0x38;
	[tilespmem:$0x100] =	vst v63  }
0x56: {  	_ =	swait.ge [sflag:s7], $0x80  }
0x57: {  	s20 =	sadd.s32 $0x20, s1;
	[sflag:s7] =	ssyncset.done $0x0  }
0x58: {  	s16 =	sadd.s32 s26, s20;
	[sflag:s7] =	ssyncadd.s32 $0xFFFFFF80  }
0x59: {  	[tilespmem:s6], [sflag:$0x2] =	stream.linear.gather [hbm4b:s16+s6], $0x80, $0x38;
	[tilespmem:$0x100] =	vst v63  }
0x5a: {  	_ =	swait.ge [sflag:s7], $0x80  }
0x5b: {  	[sflag:s7] =	ssyncset.done $0x0  }
0x5c: {  	[sflag:s7] =	ssyncadd.s32 $0xFFFFFF80  }
0x5d: {  	[tilespmem:s8], [sflag:$0x1] =	stream.indirect.gather [hbm4b:s0+s8], $0x1, s6, s8, $0xb8;
	[tilespmem:$0x100] =	vst v63  }
0x5e: {  	_ =	swait.ge [sflag:s9], $0x80  }
0x5f: {  	[sflag:s9] =	ssyncset.done $0x0  }
0x60: {  	s17 =	sadd.s32 s28, s20;
	[sflag:s9] =	ssyncadd.s32 $0xFFFFFF80  }
0x61: {  	[hbm4b:s17+s6] =	stream.linear.scatter [tilespmem:s8], [sflag:$0x2], $0x80, $0x38;
	[tilespmem:$0x100] =	vst v63  }
0x62: {  	_ =	swait.ge [sflag:s7], $0x80  }
0x63: {  	[sflag:s7] =	ssyncset.done $0x0  }
0x64: {  	[sflag:s7] =	ssyncadd.s32 $0xFFFFFF80  }
0x65: {  	[tilespmem:s8], [sflag:$0x1] =	stream.indirect.gather [hbm4b:s2+s8], $0x1, s6, s8, $0xb8;
	[tilespmem:$0x100] =	vst v63  }
0x66: {  	_ =	swait.ge [sflag:s9], $0x80  }
0x67: {  	[sflag:s9] =	ssyncset.done $0x0  }
0x68: {  	s18 =	sadd.s32 s29, s20;
	[sflag:s9] =	ssyncadd.s32 $0xFFFFFF80  }
0x69: {  	[hbm4b:s18+s6] =	stream.linear.scatter [tilespmem:s8], [sflag:$0x2], $0x80, $0x38;
	[tilespmem:$0x100] =	vst v63  }
0x6a: {  	_ =	swait.ge [sflag:s7], $0x80  }
0x6b: {  	[sflag:s7] =	ssyncset.done $0x0  }
0x6c: {  	[sflag:s7] =	ssyncadd.s32 $0xFFFFFF80  }
0x6d: {  	[tilespmem:s8], [sflag:$0x1] =	stream.indirect.gather [hbm4b:s3+s8], $0x1, s6, s8, $0xb8;
	[tilespmem:$0x100] =	vst v63  }
0x6e: {  	_ =	swait.ge [sflag:s9], $0x80  }
0x6f: {  	[sflag:s9] =	ssyncset.done $0x0  }
0x70: {  	s19 =	sadd.s32 s30, s20;
	[sflag:s9] =	ssyncadd.s32 $0xFFFFFF80  }
0x71: {  	[hbm4b:s19+s6] =	stream.linear.scatter [tilespmem:s8], [sflag:$0x2], $0x80, $0x38;
	[tilespmem:$0x100] =	vst v63  }
0x72: {  	_ =	swait.ge [sflag:s7], $0x80  }
0x73: {  	[sflag:s7] =	ssyncset.done $0x0  }
0x74: {  	[sflag:s7] =	ssyncadd.s32 $0xFFFFFF80  }
0x75: {  	[tilespmem:s8], [sflag:$0x1] =	stream.indirect.gather [hbm4b:s4+s8], $0x1, s6, s8, $0xb8;
	[tilespmem:$0x100] =	vst v63  }
0x76: {  	_ =	swait.ge [sflag:s9], $0x80  }
0x77: {  	[sflag:s9] =	ssyncset.done $0x0  }
0x78: {  	s20 =	sadd.s32 s5, s20;
	[sflag:s9] =	ssyncadd.s32 $0xFFFFFF80  }
0x79: {  	[hbm4b:s20+s6] =	stream.linear.scatter [tilespmem:s8], [sflag:$0x2], $0x80, $0x38;
	[tilespmem:$0x100] =	vst v63  }
0x7a: {  	_ =	swait.ge [sflag:s7], $0x80  }
0x7b: {  	s25 =	sadd.s32 $0x30, s1;
	[sflag:s7] =	ssyncset.done $0x0  }
0x7c: {  	s21 =	sadd.s32 s26, s25;
	[sflag:s7] =	ssyncadd.s32 $0xFFFFFF80  }
0x7d: {  	[tilespmem:s6], [sflag:$0x2] =	stream.linear.gather [hbm4b:s21+s6], $0x80, $0x38;
	[tilespmem:$0x100] =	vst v63  }
0x7e: {  	_ =	swait.ge [sflag:s7], $0x80  }
0x7f: {  	[sflag:s7] =	ssyncset.done $0x0  }
0x80: {  	[sflag:s7] =	ssyncadd.s32 $0xFFFFFF80  }
0x81: {  	[tilespmem:s8], [sflag:$0x1] =	stream.indirect.gather [hbm4b:s0+s8], $0x1, s6, s8, $0xb8;
	[tilespmem:$0x100] =	vst v63  }
0x82: {  	_ =	swait.ge [sflag:s9], $0x80  }
0x83: {  	[sflag:s9] =	ssyncset.done $0x0  }
0x84: {  	s22 =	sadd.s32 s28, s25;
	[sflag:s9] =	ssyncadd.s32 $0xFFFFFF80  }
0x85: {  	[hbm4b:s22+s6] =	stream.linear.scatter [tilespmem:s8], [sflag:$0x2], $0x80, $0x38;
	[tilespmem:$0x100] =	vst v63  }
0x86: {  	_ =	swait.ge [sflag:s7], $0x80  }
0x87: {  	[sflag:s7] =	ssyncset.done $0x0  }
0x88: {  	[sflag:s7] =	ssyncadd.s32 $0xFFFFFF80  }
0x89: {  	[tilespmem:s8], [sflag:$0x1] =	stream.indirect.gather [hbm4b:s2+s8], $0x1, s6, s8, $0xb8;
	[tilespmem:$0x100] =	vst v63  }
0x8a: {  	_ =	swait.ge [sflag:s9], $0x80  }
0x8b: {  	[sflag:s9] =	ssyncset.done $0x0  }
0x8c: {  	s23 =	sadd.s32 s29, s25;
	[sflag:s9] =	ssyncadd.s32 $0xFFFFFF80  }
0x8d: {  	[hbm4b:s23+s6] =	stream.linear.scatter [tilespmem:s8], [sflag:$0x2], $0x80, $0x38;
	[tilespmem:$0x100] =	vst v63  }
0x8e: {  	_ =	swait.ge [sflag:s7], $0x80  }
0x8f: {  	[sflag:s7] =	ssyncset.done $0x0  }
0x90: {  	[sflag:s7] =	ssyncadd.s32 $0xFFFFFF80  }
0x91: {  	[tilespmem:s8], [sflag:$0x1] =	stream.indirect.gather [hbm4b:s3+s8], $0x1, s6, s8, $0xb8;
	[tilespmem:$0x100] =	vst v63  }
0x92: {  	_ =	swait.ge [sflag:s9], $0x80  }
0x93: {  	[sflag:s9] =	ssyncset.done $0x0  }
0x94: {  	s24 =	sadd.s32 s30, s25;
	[sflag:s9] =	ssyncadd.s32 $0xFFFFFF80  }
0x95: {  	[hbm4b:s24+s6] =	stream.linear.scatter [tilespmem:s8], [sflag:$0x2], $0x80, $0x38;
	[tilespmem:$0x100] =	vst v63  }
0x96: {  	_ =	swait.ge [sflag:s7], $0x80  }
0x97: {  	[sflag:s7] =	ssyncset.done $0x0  }
0x98: {  	[sflag:s7] =	ssyncadd.s32 $0xFFFFFF80  }
0x99: {  	[tilespmem:s8], [sflag:$0x1] =	stream.indirect.gather [hbm4b:s4+s8], $0x1, s6, s8, $0xb8;
	[tilespmem:$0x100] =	vst v63  }
0x9a: {  	_ =	swait.ge [sflag:s9], $0x80  }
0x9b: {  	[sflag:s9] =	ssyncset.done $0x0  }
0x9c: {  	s25 =	sadd.s32 s5, s25;
	[sflag:s9] =	ssyncadd.s32 $0xFFFFFF80  }
0x9d: {  	[hbm4b:s25+s6] =	stream.linear.scatter [tilespmem:s8], [sflag:$0x2], $0x80, $0x38;
	[tilespmem:$0x100] =	vst v63  }
0x9e: {  	_ =	swait.ge [sflag:s7], $0x80  }
0x9f: {  	s1 =	sadd.s32 $0x40, s1;
	[sflag:s7] =	ssyncset.done $0x0  }
0xa0: {  	s26 =	sadd.s32 s26, s1;
	[sflag:s7] =	ssyncadd.s32 $0xFFFFFF80  }
0xa1: {  	[tilespmem:s6], [sflag:$0x2] =	stream.linear.gather [hbm4b:s26+s6], $0x80, $0x38;
	[tilespmem:$0x100] =	vst v63  }
0xa2: {  	_ =	swait.ge [sflag:s7], $0x80  }
0xa3: {  	[sflag:s7] =	ssyncset.done $0x0  }
0xa4: {  	[sflag:s7] =	ssyncadd.s32 $0xFFFFFF80  }
0xa5: {  	[tilespmem:s8], [sflag:$0x1] =	stream.indirect.gather [hbm4b:s0+s8], $0x1, s6, s8, $0xb8;
	[tilespmem:$0x100] =	vst v63  }
0xa6: {  	_ =	swait.ge [sflag:s9], $0x80  }
0xa7: {  	[sflag:s9] =	ssyncset.done $0x0  }
0xa8: {  	s28 =	sadd.s32 s28, s1;
	[sflag:s9] =	ssyncadd.s32 $0xFFFFFF80  }
0xa9: {  	[hbm4b:s28+s6] =	stream.linear.scatter [tilespmem:s8], [sflag:$0x2], $0x80, $0x38;
	[tilespmem:$0x100] =	vst v63  }
0xaa: {  	_ =	swait.ge [sflag:s7], $0x80  }
0xab: {  	[sflag:s7] =	ssyncset.done $0x0  }
0xac: {  	[sflag:s7] =	ssyncadd.s32 $0xFFFFFF80  }
0xad: {  	[tilespmem:s8], [sflag:$0x1] =	stream.indirect.gather [hbm4b:s2+s8], $0x1, s6, s8, $0xb8;
	[tilespmem:$0x100] =	vst v63  }
0xae: {  	_ =	swait.ge [sflag:s9], $0x80  }
0xaf: {  	[sflag:s9] =	ssyncset.done $0x0  }
0xb0: {  	s29 =	sadd.s32 s29, s1;
	[sflag:s9] =	ssyncadd.s32 $0xFFFFFF80  }
0xb1: {  	[hbm4b:s29+s6] =	stream.linear.scatter [tilespmem:s8], [sflag:$0x2], $0x80, $0x38;
	[tilespmem:$0x100] =	vst v63  }
0xb2: {  	_ =	swait.ge [sflag:s7], $0x80  }
0xb3: {  	[sflag:s7] =	ssyncset.done $0x0  }
0xb4: {  	[sflag:s7] =	ssyncadd.s32 $0xFFFFFF80  }
0xb5: {  	[tilespmem:s8], [sflag:$0x1] =	stream.indirect.gather [hbm4b:s3+s8], $0x1, s6, s8, $0xb8;
	[tilespmem:$0x100] =	vst v63  }
0xb6: {  	_ =	swait.ge [sflag:s9], $0x80  }
0xb7: {  	[sflag:s9] =	ssyncset.done $0x0  }
0xb8: {  	s31 =	ssub.s32 $0x2, s31;
	s30 =	sadd.s32 s30, s1;
	[sflag:s9] =	ssyncadd.s32 $0xFFFFFF80  }
0xb9: {  	[hbm4b:s30+s6] =	stream.linear.scatter [tilespmem:s8], [sflag:$0x2], $0x80, $0x38;
	[tilespmem:$0x100] =	vst v63  }
0xba: {  	s5 =	sshrl.u32 s31, $0x1;
	_ =	swait.ge [sflag:s7], $0x80  }
0xbb: {  	s5 =	ssub.s32 s31, s5;
	[sflag:s7] =	ssyncset.done $0x0  }
0xbc: {  	s5 =	smax.u32 s5, $0x1;
	[sflag:s7] =	ssyncadd.s32 $0xFFFFFF80  }
0xbd: {  	[tilespmem:s8], [sflag:$0x1] =	stream.indirect.gather [hbm4b:s4+s8], $0x1, s6, s8, $0xb8;
	[tilespmem:$0x100] =	vst v63  }
0xbe: {  	p0 =	sne.s32 s5, $0x1;
	_ =	swait.ge [sflag:s9], $0x80  }
.Ltmp0:
0xbf: {  	[sflag:s9] =	ssyncset.done $0x0;
	(pc) =	sbr.rel @!p0 .LBB2_2-.Ltmp0, $4  }
0xc0: {  	s31 =	rddreg [dreg:$0x8]  }
0xc1: {  	[sflag:s9] =	ssyncadd.s32 $0xFFFFFF80;
	s31 =	sadd.s32 s31, s1  }
0xc2: {  	[hbm4b:s31+s6] =	stream.linear.scatter [tilespmem:s8], [sflag:$0x2], $0x80, $0x38;
	[tilespmem:$0x100] =	vst v63  }
0xc3: {  	s5 =	sadd.s32 $0xFFFFFFFF, s5;
	_ =	swait.ge [sflag:s7], $0x80  }
.LBB2_1:
0xc4: {  	[sflag:s7] =	ssyncset.done $0x0  }
0xc5: {  	s1 =	rddreg [dreg:$0xa];
	[sflag:s7] =	ssyncadd.s32 $0xFFFFFF80  }
0xc6: {  	[tilespmem:s6], [sflag:$0x2] =	stream.linear.gather [hbm4b:s1+s6], $0x80, $0x38;
	[tilespmem:$0x100] =	vst v63  }
0xc7: {  	_ =	swait.ge [sflag:s7], $0x80  }
0xc8: {  	[sflag:s7] =	ssyncset.done $0x0  }
0xc9: {  	[sflag:s7] =	ssyncadd.s32 $0xFFFFFF80  }
0xca: {  	[tilespmem:s8], [sflag:$0x1] =	stream.indirect.gather [hbm4b:s0+s8], $0x1, s6, s8, $0xb8;
	[tilespmem:$0x100] =	vst v63  }
0xcb: {  	_ =	swait.ge [sflag:s9], $0x80  }
0xcc: {  	[sflag:s9] =	ssyncset.done $0x0  }
0xcd: {  	s1 =	rddreg [dreg:$0xb];
	[sflag:s9] =	ssyncadd.s32 $0xFFFFFF80  }
0xce: {  	[hbm4b:s1+s6] =	stream.linear.scatter [tilespmem:s8], [sflag:$0x2], $0x80, $0x38;
	[tilespmem:$0x100] =	vst v63  }
0xcf: {  	_ =	swait.ge [sflag:s7], $0x80  }
0xd0: {  	[sflag:s7] =	ssyncset.done $0x0  }
0xd1: {  	[sflag:s7] =	ssyncadd.s32 $0xFFFFFF80  }
0xd2: {  	[tilespmem:s8], [sflag:$0x1] =	stream.indirect.gather [hbm4b:s2+s8], $0x1, s6, s8, $0xb8;
	[tilespmem:$0x100] =	vst v63  }
0xd3: {  	_ =	swait.ge [sflag:s9], $0x80  }
0xd4: {  	[sflag:s9] =	ssyncset.done $0x0  }
0xd5: {  	s1 =	rddreg [dreg:$0xc];
	[sflag:s9] =	ssyncadd.s32 $0xFFFFFF80  }
0xd6: {  	[hbm4b:s1+s6] =	stream.linear.scatter [tilespmem:s8], [sflag:$0x2], $0x80, $0x38;
	[tilespmem:$0x100] =	vst v63  }
0xd7: {  	_ =	swait.ge [sflag:s7], $0x80  }
0xd8: {  	[sflag:s7] =	ssyncset.done $0x0  }
0xd9: {  	[sflag:s7] =	ssyncadd.s32 $0xFFFFFF80  }
0xda: {  	[tilespmem:s8], [sflag:$0x1] =	stream.indirect.gather [hbm4b:s3+s8], $0x1, s6, s8, $0xb8;
	[tilespmem:$0x100] =	vst v63  }
0xdb: {  	_ =	swait.ge [sflag:s9], $0x80  }
0xdc: {  	[sflag:s9] =	ssyncset.done $0x0  }
0xdd: {  	s1 =	rddreg [dreg:$0xd];
	[sflag:s9] =	ssyncadd.s32 $0xFFFFFF80  }
0xde: {  	[hbm4b:s1+s6] =	stream.linear.scatter [tilespmem:s8], [sflag:$0x2], $0x80, $0x38;
	[tilespmem:$0x100] =	vst v63  }
0xdf: {  	_ =	swait.ge [sflag:s7], $0x80  }
0xe0: {  	[sflag:s7] =	ssyncset.done $0x0  }
0xe1: {  	[sflag:s7] =	ssyncadd.s32 $0xFFFFFF80  }
0xe2: {  	[tilespmem:s8], [sflag:$0x1] =	stream.indirect.gather [hbm4b:s4+s8], $0x1, s6, s8, $0xb8;
	[tilespmem:$0x100] =	vst v63  }
0xe3: {  	_ =	swait.ge [sflag:s9], $0x80  }
0xe4: {  	[sflag:s9] =	ssyncset.done $0x0  }
0xe5: {  	[sflag:s9] =	ssyncadd.s32 $0xFFFFFF80  }
0xe6: {  	[hbm4b:s10+s6] =	stream.linear.scatter [tilespmem:s8], [sflag:$0x2], $0x80, $0x38;
	[tilespmem:$0x100] =	vst v63  }
0xe7: {  	_ =	swait.ge [sflag:s7], $0x80  }
0xe8: {  	[sflag:s7] =	ssyncset.done $0x0  }
0xe9: {  	[sflag:s7] =	ssyncadd.s32 $0xFFFFFF80  }
0xea: {  	[tilespmem:s6], [sflag:$0x2] =	stream.linear.gather [hbm4b:s11+s6], $0x80, $0x38;
	[tilespmem:$0x100] =	vst v63  }
0xeb: {  	_ =	swait.ge [sflag:s7], $0x80  }
0xec: {  	[sflag:s7] =	ssyncset.done $0x0  }
0xed: {  	[sflag:s7] =	ssyncadd.s32 $0xFFFFFF80  }
0xee: {  	[tilespmem:s8], [sflag:$0x1] =	stream.indirect.gather [hbm4b:s0+s8], $0x1, s6, s8, $0xb8;
	[tilespmem:$0x100] =	vst v63  }
0xef: {  	_ =	swait.ge [sflag:s9], $0x80  }
0xf0: {  	[sflag:s9] =	ssyncset.done $0x0  }
0xf1: {  	[sflag:s9] =	ssyncadd.s32 $0xFFFFFF80  }
0xf2: {  	[hbm4b:s12+s6] =	stream.linear.scatter [tilespmem:s8], [sflag:$0x2], $0x80, $0x38;
	[tilespmem:$0x100] =	vst v63  }
0xf3: {  	_ =	swait.ge [sflag:s7], $0x80  }
0xf4: {  	[sflag:s7] =	ssyncset.done $0x0  }
0xf5: {  	[sflag:s7] =	ssyncadd.s32 $0xFFFFFF80  }
0xf6: {  	[tilespmem:s8], [sflag:$0x1] =	stream.indirect.gather [hbm4b:s2+s8], $0x1, s6, s8, $0xb8;
	[tilespmem:$0x100] =	vst v63  }
0xf7: {  	_ =	swait.ge [sflag:s9], $0x80  }
0xf8: {  	[sflag:s9] =	ssyncset.done $0x0  }
0xf9: {  	[sflag:s9] =	ssyncadd.s32 $0xFFFFFF80  }
0xfa: {  	[hbm4b:s13+s6] =	stream.linear.scatter [tilespmem:s8], [sflag:$0x2], $0x80, $0x38;
	[tilespmem:$0x100] =	vst v63  }
0xfb: {  	_ =	swait.ge [sflag:s7], $0x80  }
0xfc: {  	[sflag:s7] =	ssyncset.done $0x0  }
0xfd: {  	[sflag:s7] =	ssyncadd.s32 $0xFFFFFF80  }
0xfe: {  	[tilespmem:s8], [sflag:$0x1] =	stream.indirect.gather [hbm4b:s3+s8], $0x1, s6, s8, $0xb8;
	[tilespmem:$0x100] =	vst v63  }
0xff: {  	_ =	swait.ge [sflag:s9], $0x80  }
0x100: {  	[sflag:s9] =	ssyncset.done $0x0  }
0x101: {  	[sflag:s9] =	ssyncadd.s32 $0xFFFFFF80  }
0x102: {  	[hbm4b:s14+s6] =	stream.linear.scatter [tilespmem:s8], [sflag:$0x2], $0x80, $0x38;
	[tilespmem:$0x100] =	vst v63  }
0x103: {  	_ =	swait.ge [sflag:s7], $0x80  }
0x104: {  	[sflag:s7] =	ssyncset.done $0x0  }
0x105: {  	[sflag:s7] =	ssyncadd.s32 $0xFFFFFF80  }
0x106: {  	[tilespmem:s8], [sflag:$0x1] =	stream.indirect.gather [hbm4b:s4+s8], $0x1, s6, s8, $0xb8;
	[tilespmem:$0x100] =	vst v63  }
0x107: {  	_ =	swait.ge [sflag:s9], $0x80  }
0x108: {  	[sflag:s9] =	ssyncset.done $0x0  }
0x109: {  	[sflag:s9] =	ssyncadd.s32 $0xFFFFFF80  }
0x10a: {  	[hbm4b:s15+s6] =	stream.linear.scatter [tilespmem:s8], [sflag:$0x2], $0x80, $0x38;
	[tilespmem:$0x100] =	vst v63  }
0x10b: {  	_ =	swait.ge [sflag:s7], $0x80  }
0x10c: {  	[sflag:s7] =	ssyncset.done $0x0  }
0x10d: {  	[sflag:s7] =	ssyncadd.s32 $0xFFFFFF80  }
0x10e: {  	[tilespmem:s6], [sflag:$0x2] =	stream.linear.gather [hbm4b:s16+s6], $0x80, $0x38;
	[tilespmem:$0x100] =	vst v63  }
0x10f: {  	_ =	swait.ge [sflag:s7], $0x80  }
0x110: {  	[sflag:s7] =	ssyncset.done $0x0  }
0x111: {  	[sflag:s7] =	ssyncadd.s32 $0xFFFFFF80  }
0x112: {  	[tilespmem:s8], [sflag:$0x1] =	stream.indirect.gather [hbm4b:s0+s8], $0x1, s6, s8, $0xb8;
	[tilespmem:$0x100] =	vst v63  }
0x113: {  	_ =	swait.ge [sflag:s9], $0x80  }
0x114: {  	[sflag:s9] =	ssyncset.done $0x0  }
0x115: {  	[sflag:s9] =	ssyncadd.s32 $0xFFFFFF80  }
0x116: {  	[hbm4b:s17+s6] =	stream.linear.scatter [tilespmem:s8], [sflag:$0x2], $0x80, $0x38;
	[tilespmem:$0x100] =	vst v63  }
0x117: {  	_ =	swait.ge [sflag:s7], $0x80  }
0x118: {  	[sflag:s7] =	ssyncset.done $0x0  }
0x119: {  	[sflag:s7] =	ssyncadd.s32 $0xFFFFFF80  }
0x11a: {  	[tilespmem:s8], [sflag:$0x1] =	stream.indirect.gather [hbm4b:s2+s8], $0x1, s6, s8, $0xb8;
	[tilespmem:$0x100] =	vst v63  }
0x11b: {  	_ =	swait.ge [sflag:s9], $0x80  }
0x11c: {  	[sflag:s9] =	ssyncset.done $0x0  }
0x11d: {  	[sflag:s9] =	ssyncadd.s32 $0xFFFFFF80  }
0x11e: {  	[hbm4b:s18+s6] =	stream.linear.scatter [tilespmem:s8], [sflag:$0x2], $0x80, $0x38;
	[tilespmem:$0x100] =	vst v63  }
0x11f: {  	_ =	swait.ge [sflag:s7], $0x80  }
0x120: {  	[sflag:s7] =	ssyncset.done $0x0  }
0x121: {  	[sflag:s7] =	ssyncadd.s32 $0xFFFFFF80  }
0x122: {  	[tilespmem:s8], [sflag:$0x1] =	stream.indirect.gather [hbm4b:s3+s8], $0x1, s6, s8, $0xb8;
	[tilespmem:$0x100] =	vst v63  }
0x123: {  	_ =	swait.ge [sflag:s9], $0x80  }
0x124: {  	[sflag:s9] =	ssyncset.done $0x0  }
0x125: {  	[sflag:s9] =	ssyncadd.s32 $0xFFFFFF80  }
0x126: {  	[hbm4b:s19+s6] =	stream.linear.scatter [tilespmem:s8], [sflag:$0x2], $0x80, $0x38;
	[tilespmem:$0x100] =	vst v63  }
0x127: {  	_ =	swait.ge [sflag:s7], $0x80  }
0x128: {  	[sflag:s7] =	ssyncset.done $0x0  }
0x129: {  	[sflag:s7] =	ssyncadd.s32 $0xFFFFFF80  }
0x12a: {  	[tilespmem:s8], [sflag:$0x1] =	stream.indirect.gather [hbm4b:s4+s8], $0x1, s6, s8, $0xb8;
	[tilespmem:$0x100] =	vst v63  }
0x12b: {  	_ =	swait.ge [sflag:s9], $0x80  }
0x12c: {  	[sflag:s9] =	ssyncset.done $0x0  }
0x12d: {  	[sflag:s9] =	ssyncadd.s32 $0xFFFFFF80  }
0x12e: {  	[hbm4b:s20+s6] =	stream.linear.scatter [tilespmem:s8], [sflag:$0x2], $0x80, $0x38;
	[tilespmem:$0x100] =	vst v63  }
0x12f: {  	_ =	swait.ge [sflag:s7], $0x80  }
0x130: {  	[sflag:s7] =	ssyncset.done $0x0  }
0x131: {  	[sflag:s7] =	ssyncadd.s32 $0xFFFFFF80  }
0x132: {  	[tilespmem:s6], [sflag:$0x2] =	stream.linear.gather [hbm4b:s21+s6], $0x80, $0x38;
	[tilespmem:$0x100] =	vst v63  }
0x133: {  	_ =	swait.ge [sflag:s7], $0x80  }
0x134: {  	[sflag:s7] =	ssyncset.done $0x0  }
0x135: {  	[sflag:s7] =	ssyncadd.s32 $0xFFFFFF80  }
0x136: {  	[tilespmem:s8], [sflag:$0x1] =	stream.indirect.gather [hbm4b:s0+s8], $0x1, s6, s8, $0xb8;
	[tilespmem:$0x100] =	vst v63  }
0x137: {  	_ =	swait.ge [sflag:s9], $0x80  }
0x138: {  	[sflag:s9] =	ssyncset.done $0x0  }
0x139: {  	[sflag:s9] =	ssyncadd.s32 $0xFFFFFF80  }
0x13a: {  	[hbm4b:s22+s6] =	stream.linear.scatter [tilespmem:s8], [sflag:$0x2], $0x80, $0x38;
	[tilespmem:$0x100] =	vst v63  }
0x13b: {  	_ =	swait.ge [sflag:s7], $0x80  }
0x13c: {  	[sflag:s7] =	ssyncset.done $0x0  }
0x13d: {  	[sflag:s7] =	ssyncadd.s32 $0xFFFFFF80  }
0x13e: {  	[tilespmem:s8], [sflag:$0x1] =	stream.indirect.gather [hbm4b:s2+s8], $0x1, s6, s8, $0xb8;
	[tilespmem:$0x100] =	vst v63  }
0x13f: {  	_ =	swait.ge [sflag:s9], $0x80  }
0x140: {  	[sflag:s9] =	ssyncset.done $0x0  }
0x141: {  	[sflag:s9] =	ssyncadd.s32 $0xFFFFFF80  }
0x142: {  	[hbm4b:s23+s6] =	stream.linear.scatter [tilespmem:s8], [sflag:$0x2], $0x80, $0x38;
	[tilespmem:$0x100] =	vst v63  }
0x143: {  	_ =	swait.ge [sflag:s7], $0x80  }
0x144: {  	[sflag:s7] =	ssyncset.done $0x0  }
0x145: {  	[sflag:s7] =	ssyncadd.s32 $0xFFFFFF80  }
0x146: {  	[tilespmem:s8], [sflag:$0x1] =	stream.indirect.gather [hbm4b:s3+s8], $0x1, s6, s8, $0xb8;
	[tilespmem:$0x100] =	vst v63  }
0x147: {  	_ =	swait.ge [sflag:s9], $0x80  }
0x148: {  	[sflag:s9] =	ssyncset.done $0x0  }
0x149: {  	[sflag:s9] =	ssyncadd.s32 $0xFFFFFF80  }
0x14a: {  	[hbm4b:s24+s6] =	stream.linear.scatter [tilespmem:s8], [sflag:$0x2], $0x80, $0x38;
	[tilespmem:$0x100] =	vst v63  }
0x14b: {  	_ =	swait.ge [sflag:s7], $0x80  }
0x14c: {  	[sflag:s7] =	ssyncset.done $0x0  }
0x14d: {  	[sflag:s7] =	ssyncadd.s32 $0xFFFFFF80  }
0x14e: {  	[tilespmem:s8], [sflag:$0x1] =	stream.indirect.gather [hbm4b:s4+s8], $0x1, s6, s8, $0xb8;
	[tilespmem:$0x100] =	vst v63  }
0x14f: {  	_ =	swait.ge [sflag:s9], $0x80  }
0x150: {  	[sflag:s9] =	ssyncset.done $0x0  }
0x151: {  	[sflag:s9] =	ssyncadd.s32 $0xFFFFFF80  }
0x152: {  	[hbm4b:s25+s6] =	stream.linear.scatter [tilespmem:s8], [sflag:$0x2], $0x80, $0x38;
	[tilespmem:$0x100] =	vst v63  }
0x153: {  	_ =	swait.ge [sflag:s7], $0x80  }
0x154: {  	[sflag:s7] =	ssyncset.done $0x0  }
0x155: {  	[sflag:s7] =	ssyncadd.s32 $0xFFFFFF80  }
0x156: {  	[tilespmem:s6], [sflag:$0x2] =	stream.linear.gather [hbm4b:s26+s6], $0x80, $0x38;
	[tilespmem:$0x100] =	vst v63  }
0x157: {  	_ =	swait.ge [sflag:s7], $0x80  }
0x158: {  	[sflag:s7] =	ssyncset.done $0x0  }
0x159: {  	[sflag:s7] =	ssyncadd.s32 $0xFFFFFF80  }
0x15a: {  	[tilespmem:s8], [sflag:$0x1] =	stream.indirect.gather [hbm4b:s0+s8], $0x1, s6, s8, $0xb8;
	[tilespmem:$0x100] =	vst v63  }
0x15b: {  	_ =	swait.ge [sflag:s9], $0x80  }
0x15c: {  	[sflag:s9] =	ssyncset.done $0x0  }
0x15d: {  	[sflag:s9] =	ssyncadd.s32 $0xFFFFFF80  }
0x15e: {  	[hbm4b:s28+s6] =	stream.linear.scatter [tilespmem:s8], [sflag:$0x2], $0x80, $0x38;
	[tilespmem:$0x100] =	vst v63  }
0x15f: {  	_ =	swait.ge [sflag:s7], $0x80  }
0x160: {  	[sflag:s7] =	ssyncset.done $0x0  }
0x161: {  	[sflag:s7] =	ssyncadd.s32 $0xFFFFFF80  }
0x162: {  	[tilespmem:s8], [sflag:$0x1] =	stream.indirect.gather [hbm4b:s2+s8], $0x1, s6, s8, $0xb8;
	[tilespmem:$0x100] =	vst v63  }
0x163: {  	_ =	swait.ge [sflag:s9], $0x80  }
0x164: {  	[sflag:s9] =	ssyncset.done $0x0  }
0x165: {  	[sflag:s9] =	ssyncadd.s32 $0xFFFFFF80  }
0x166: {  	[hbm4b:s29+s6] =	stream.linear.scatter [tilespmem:s8], [sflag:$0x2], $0x80, $0x38;
	[tilespmem:$0x100] =	vst v63  }
0x167: {  	_ =	swait.ge [sflag:s7], $0x80  }
0x168: {  	[sflag:s7] =	ssyncset.done $0x0  }
0x169: {  	[sflag:s7] =	ssyncadd.s32 $0xFFFFFF80  }
0x16a: {  	[tilespmem:s8], [sflag:$0x1] =	stream.indirect.gather [hbm4b:s3+s8], $0x1, s6, s8, $0xb8;
	[tilespmem:$0x100] =	vst v63  }
0x16b: {  	_ =	swait.ge [sflag:s9], $0x80  }
0x16c: {  	[sflag:s9] =	ssyncset.done $0x0  }
0x16d: {  	[sflag:s9] =	ssyncadd.s32 $0xFFFFFF80  }
0x16e: {  	[hbm4b:s30+s6] =	stream.linear.scatter [tilespmem:s8], [sflag:$0x2], $0x80, $0x38;
	[tilespmem:$0x100] =	vst v63  }
0x16f: {  	_ =	swait.ge [sflag:s7], $0x80  }
0x170: {  	[sflag:s7] =	ssyncset.done $0x0  }
0x171: {  	p0 =	sne.s32 s5, $0x1;
	[sflag:s7] =	ssyncadd.s32 $0xFFFFFF80  }
0x172: {  	[tilespmem:s8], [sflag:$0x1] =	stream.indirect.gather [hbm4b:s4+s8], $0x1, s6, s8, $0xb8;
	[tilespmem:$0x100] =	vst v63  }
.Ltmp1:
0x173: {  	_ =	swait.ge [sflag:s9], $0x80;
	(pc) =	sbr.rel @p0 .LBB2_1-.Ltmp1, $4  }
0x174: {  	[sflag:s9] =	ssyncset.done $0x0  }
0x175: {  	[sflag:s9] =	ssyncadd.s32 $0xFFFFFF80  }
0x176: {  	[hbm4b:s31+s6] =	stream.linear.scatter [tilespmem:s8], [sflag:$0x2], $0x80, $0x38;
	[tilespmem:$0x100] =	vst v63  }
0x177: {  	s5 =	sadd.s32 $0xFFFFFFFF, s5;
	_ =	swait.ge [sflag:s7], $0x80  }
.LBB2_2:
0x178: {  	[sflag:s7] =	ssyncset.done $0x0  }
0x179: {  	[sflag:s7] =	ssyncadd.s32 $0xFFFFFF80  }
0x17a: {  	_ =	sfence.sel $0x180000  }
0x17b: {  	[bflag:$0x0] =	sbarrier.arrive $0xFFFF  }
0x17c: {  	_ =	strace $0x90000047  }
0x17d: {  	s0 =	stileid.u32;
	[bflag:$0x2] =	sbarrier.arrive $0xFFFF  }
0x17e: {  	p0 =	sne.s32 s0, $0x0;
	s0 =	rddreg [dreg:$0x9]  }
0x17f: {  	s0 =	sadd.s32 @!p0 $0x100000, s0  }
0x180: {  	[sflag:s0] =	ssyncadd.tile.s32 @!p0 $0x1;
	_ =	shalt  }
.Lfunc_end2:
_tile_overlayer_lowered:
.L_overlay_start_2:
0x181: {  	(tag) =	ssettag $0x2  }
0x182: {  	s0 =	rddreg [dreg:$0x0];
	s2 =	stileid.u32  }
0x183: {  	s1 =	rddreg [dreg:$0x1];
	p0 =	sne.s32 s2, $0x0  }
0x184: {  	s3 =	rddreg [dreg:$0x2];
	[bflag:$0x3] =	sbarrier.arrive $0xFFFF;
	s2 =	simm.s32 @!p0 $0x1C02  }
0x185: {  	[timem:s3], [sflag:s2] =	dma.local @!p0 [hbm:s0], s1  }
0x186: {  	s0 =	simm.s32 @!p0 $0x2  }
0x187: {  	_ =	swait.ge @!p0 [sflag:s0], s1  }
0x188: {  	s1 =	ssub.s32 @!p0 $0x0, s1;
	[sflag:s0] =	ssyncset.done @!p0 $0x0  }
0x189: {  	[sflag:s0] =	ssyncadd.s32 @!p0 s1  }
0x18a: {  	[bflag:$0x3] =	sbarrier.arrive $0xFFFF  }
0x18b: {  	_ =	shalt  }

</sc_bundles>
